<compile_context>
chip_gen: v7x
topology: tpu7x:2x2x1
jax: 0.10.2.dev20260603
libtpu: 0.0.44.dev20260713+nightly
codegen_flags: <defaults>
</compile_context>

<pallas_src>
import jax
import jax.numpy as jnp
from jax import lax
from jax.experimental import pallas as pl
from jax.experimental.pallas import tpu as pltpu
from jax.experimental.pallas import tpu_sc as plsc

E = 16384
D = 64
L = 16
NC = 2
NS = 16
NW = NC * NS
EPW = E // NW
P = 32
NPASS = EPW // P
PGROUPS = P // L
PR = P * 8


def _mf_body(usr1, itm1, usr_nid, itm_nid, edges, out,
             eidx_u, eidx_i, nid_u, nid_i, blk_u, blk_i,
             rows_u, rows_i, score, sem):
    wid = lax.axis_index("s") * NC + lax.axis_index("c")
    base = wid * EPW
    lanes = lax.iota(jnp.int32, L)

    pltpu.sync_copy(edges.at[0, pl.ds(base, EPW)], eidx_u)
    pltpu.sync_copy(edges.at[1, pl.ds(base, EPW)], eidx_i)

    cu = pltpu.async_copy(usr_nid.at[eidx_u], nid_u, sem)
    ci = pltpu.async_copy(itm_nid.at[eidx_i], nid_i, sem)
    cu.wait()
    ci.wait()

    def split_body(i, _):
        s = pl.ds(i * L, L)
        nu = nid_u[s]
        ni = nid_i[s]
        blk_u[s] = nu & ~7
        blk_i[s] = ni & ~7
        nid_u[s] = nu & 7
        nid_i[s] = ni & 7
        return 0

    lax.fori_loop(0, EPW // L, split_body, 0, unroll=4)

    def pass_body(p, _):
        pbase = p * P

        def fire_body(g, _):
            bu = blk_u[pl.ds(pbase + g * L, L)]
            bi = blk_i[pl.ds(pbase + g * L, L)]
            for lane in range(L):
                slot = g * L + lane
                pltpu.async_copy(
                    usr1.at[pl.ds(pl.multiple_of(bu[lane], 8), 8), :],
                    rows_u.at[pl.ds(slot * 8, 8), :], sem)
                pltpu.async_copy(
                    itm1.at[pl.ds(pl.multiple_of(bi[lane], 8), 8), :],
                    rows_i.at[pl.ds(slot * 8, 8), :], sem)
            return 0

        lax.fori_loop(0, PGROUPS, fire_body, 0)

        pltpu.make_async_copy(usr1.at[pl.ds(0, PR), :], rows_u, sem).wait()
        pltpu.make_async_copy(itm1.at[pl.ds(0, PR), :], rows_i, sem).wait()

        def group_body(g, _):
            s = pl.ds(pbase + g * L, L)
            rowv_u = (g * L + lanes) * 8 + nid_u[s]
            rowv_i = (g * L + lanes) * 8 + nid_i[s]

            def dim_body(d, acc):
                dd = jnp.full((L,), d, jnp.int32)
                u = plsc.load_gather(rows_u, [rowv_u, dd])
                v = plsc.load_gather(rows_i, [rowv_i, dd])
                return acc + u * v

            acc = lax.fori_loop(0, D, dim_body, jnp.zeros((L,), jnp.float32),
                                unroll=8)
            score[pl.ds(pbase + g * L, L)] = acc
            return 0

        lax.fori_loop(0, PGROUPS, group_body, 0)
        return 0

    lax.fori_loop(0, NPASS, pass_body, 0)

    pltpu.sync_copy(score, out.at[pl.ds(base, EPW)])


@jax.jit
def _mf_sc(usr1, itm1, usr_n_id, itm_n_id, edge_label_index):
    mesh = plsc.VectorSubcoreMesh(core_axis_name="c", subcore_axis_name="s")
    return pl.kernel(
        _mf_body,
        mesh=mesh,
        compiler_params=pltpu.CompilerParams(needs_layout_passes=False),
        out_type=jax.ShapeDtypeStruct((E,), jnp.float32),
        scratch_types=[
            pltpu.VMEM((EPW,), jnp.int32),
            pltpu.VMEM((EPW,), jnp.int32),
            pltpu.VMEM((EPW,), jnp.int32),
            pltpu.VMEM((EPW,), jnp.int32),
            pltpu.VMEM((EPW,), jnp.int32),
            pltpu.VMEM((EPW,), jnp.int32),
            pltpu.VMEM((PR, D), jnp.float32),
            pltpu.VMEM((PR, D), jnp.float32),
            pltpu.VMEM((EPW,), jnp.float32),
            pltpu.SemaphoreType.DMA,
        ],
    )(usr1, itm1, usr_n_id, itm_n_id, edge_label_index)


def kernel(usr_table, itm_table, usr_n_id, itm_n_id, edge_label_index):
    return _mf_sc(usr_table, itm_table, usr_n_id, itm_n_id, edge_label_index)

# --- scband reference (transcript-rebuilt; emitter-appended) ---
"""Pipeline reference for scband-mf-73976516706687 (READ-ONLY COPY).

The authoritative reference and input builder live on the scoring server;
editing this copy changes nothing except your own understanding.
"""

import jax, jax.numpy as jnp
import numpy as np

NUM_USERS = 1000000
NUM_ITEMS = 1000000
EMBED_DIM = 64
N_LOADED = 131072
N_EDGES = 16384


def setup_inputs(seed: int = 0) -> dict:
    key = jax.random.key(seed)
    k1, k2, k3, k4, k5 = jax.random.split(key, 5)
    usr_n_id = jax.random.randint(k1, (N_LOADED,), 0, NUM_USERS, dtype=jnp.int64 if jax.config.jax_enable_x64 else jnp.int32).astype(jnp.int32)
    itm_n_id = jax.random.randint(k2, (N_LOADED,), 0, NUM_ITEMS).astype(jnp.int32)
    edge_label_index = jax.random.randint(k3, (2, N_EDGES), 0, N_LOADED).astype(jnp.int32)
    usr_table = jax.random.normal(k4, (NUM_USERS, EMBED_DIM), dtype=jnp.float32) * 0.01
    itm_table = jax.random.normal(k5, (NUM_ITEMS, EMBED_DIM), dtype=jnp.float32) * 0.01
    return {
        "usr_table": usr_table,
        "itm_table": itm_table,
        "usr_n_id": usr_n_id,
        "itm_n_id": itm_n_id,
        "edge_label_index": edge_label_index,
    }


def reference(usr_table, itm_table, usr_n_id, itm_n_id, edge_label_index):
    # NodeEmbedding lookup per node type
    usr_x = jnp.take(usr_table, usr_n_id, axis=0)  # [N_LOADED, D]
    itm_x = jnp.take(itm_table, itm_n_id, axis=0)  # [N_LOADED, D]
    # edge_label_index rows index into the loaded (gathered) node features
    usr_idx = edge_label_index[0]
    itm_idx = edge_label_index[1]
    src_x = usr_x[usr_idx]  # [E, D]
    dst_x = itm_x[itm_idx]  # [E, D]
    # InnerProduct regressor
    edge_score = jnp.sum(src_x * dst_x, axis=-1)  # [E]
    return edge_score

if __name__ == "__main__":
    import jax
    _d = setup_inputs()
    print(jax.jit(kernel)(*tuple(_d.values())))

</pallas_src>

<mosaic_0001>
#map = affine_map<(d0, d1) -> (0, 0)>
#map1 = affine_map<(d0, d1) -> (0)>
module attributes {stable_mosaic.version = 14 : i64} {
  func.func @_mf_body(%arg0: i32, %arg1: i32, %arg2: memref<1000000x64xf32, #tpu.memory_space<hbm>>, %arg3: memref<1000000x64xf32, #tpu.memory_space<hbm>>, %arg4: memref<131072xi32, #tpu.memory_space<hbm>>, %arg5: memref<131072xi32, #tpu.memory_space<hbm>>, %arg6: memref<2x16384xi32, #tpu.memory_space<hbm>>, %arg7: memref<16384xf32, #tpu.memory_space<hbm>>, %arg8: memref<512xi32, #tpu.memory_space<vmem>>, %arg9: memref<512xi32, #tpu.memory_space<vmem>>, %arg10: memref<512xi32, #tpu.memory_space<vmem>>, %arg11: memref<512xi32, #tpu.memory_space<vmem>>, %arg12: memref<512xi32, #tpu.memory_space<vmem>>, %arg13: memref<512xi32, #tpu.memory_space<vmem>>, %arg14: memref<256x64xf32, #tpu.memory_space<vmem>>, %arg15: memref<256x64xf32, #tpu.memory_space<vmem>>, %arg16: memref<512xf32, #tpu.memory_space<vmem>>, %arg17: memref<!tpu.dma_semaphore, #tpu.memory_space<semaphore_mem>>) attributes {dimension_semantics = [#tpu.dimension_semantics<core_parallel>, #tpu.dimension_semantics<subcore_parallel>], iteration_bounds = array<i64: 2, 16>, scalar_prefetch = 0 : i64, scratch_operands = 10 : i64, tpu.core_type = #tpu.core_type<sc_vector_subcore>, window_params = [{transform_indices = #map}, {transform_indices = #map}, {transform_indices = #map1}, {transform_indices = #map1}, {transform_indices = #map}, {transform_indices = #map1}]} {
    %mul3A = arith.constant 2 : i32
    %mul3A_0 = arith.muli %arg1, %mul3A : i32
    %add3A = arith.addi %mul3A_0, %arg0 : i32
    %mul3A_1 = arith.constant 512 : i32
    %mul3A_2 = arith.muli %add3A, %mul3A_1 : i32
    %iota3A = tpu.iota {dimensions = array<i32: 0>} : vector<16xi32>
    %run_scoped3A = arith.constant 0 : i32
    "tpu.region"() ({
      %run_scoped3A_23 = tpu.sem_alloc : memref<!tpu.dma_semaphore, #tpu.memory_space<semaphore_mem>>
      %dma_start3A_24 = tpu.memref_slice %arg6[%run_scoped3A, %mul3A_2] : memref<2x16384xi32, #tpu.memory_space<hbm>> -> memref<1x512xi32, #tpu.memory_space<hbm>>
      %dma_start3A_25 = tpu.memref_squeeze %dma_start3A_24 : memref<1x512xi32, #tpu.memory_space<hbm>> -> memref<512xi32, #tpu.memory_space<hbm>>
      %dma_start3A_26 = tpu.memref_slice %arg6[%run_scoped3A, %mul3A_2] : memref<2x16384xi32, #tpu.memory_space<hbm>> -> memref<1x512xi32, #tpu.memory_space<hbm>>
      %dma_start3A_27 = tpu.memref_squeeze %dma_start3A_26 : memref<1x512xi32, #tpu.memory_space<hbm>> -> memref<512xi32, #tpu.memory_space<hbm>>
      tpu.enqueue_dma source(%dma_start3A_27 : memref<512xi32, #tpu.memory_space<hbm>>) target(%arg8 : memref<512xi32, #tpu.memory_space<vmem>>) target_semaphore(%run_scoped3A_23 : memref<!tpu.dma_semaphore, #tpu.memory_space<semaphore_mem>>)
      %dma_wait3A_28 = tpu.memref_slice %arg6[%run_scoped3A, %mul3A_2] : memref<2x16384xi32, #tpu.memory_space<hbm>> -> memref<1x512xi32, #tpu.memory_space<hbm>>
      %dma_wait3A_29 = tpu.memref_squeeze %dma_wait3A_28 : memref<1x512xi32, #tpu.memory_space<hbm>> -> memref<512xi32, #tpu.memory_space<hbm>>
      %dma_wait3A_30 = tpu.memref_slice %arg6[%run_scoped3A, %mul3A_2] : memref<2x16384xi32, #tpu.memory_space<hbm>> -> memref<1x512xi32, #tpu.memory_space<hbm>>
      %dma_wait3A_31 = tpu.memref_squeeze %dma_wait3A_30 : memref<1x512xi32, #tpu.memory_space<hbm>> -> memref<512xi32, #tpu.memory_space<hbm>>
      tpu.wait_dma2 semaphore(%run_scoped3A_23 : memref<!tpu.dma_semaphore, #tpu.memory_space<semaphore_mem>>) src(%dma_wait3A_31 : memref<512xi32, #tpu.memory_space<hbm>>) dst(%arg8 : memref<512xi32, #tpu.memory_space<vmem>>)
      tpu.yield
    }) : () -> ()
    %run_scoped3A_3 = arith.constant 1 : i32
    "tpu.region"() ({
      %run_scoped3A_23 = tpu.sem_alloc : memref<!tpu.dma_semaphore, #tpu.memory_space<semaphore_mem>>
      %dma_start3A_24 = tpu.memref_slice %arg6[%run_scoped3A_3, %mul3A_2] : memref<2x16384xi32, #tpu.memory_space<hbm>> -> memref<1x512xi32, #tpu.memory_space<hbm>>
      %dma_start3A_25 = tpu.memref_squeeze %dma_start3A_24 : memref<1x512xi32, #tpu.memory_space<hbm>> -> memref<512xi32, #tpu.memory_space<hbm>>
      %dma_start3A_26 = tpu.memref_slice %arg6[%run_scoped3A_3, %mul3A_2] : memref<2x16384xi32, #tpu.memory_space<hbm>> -> memref<1x512xi32, #tpu.memory_space<hbm>>
      %dma_start3A_27 = tpu.memref_squeeze %dma_start3A_26 : memref<1x512xi32, #tpu.memory_space<hbm>> -> memref<512xi32, #tpu.memory_space<hbm>>
      tpu.enqueue_dma source(%dma_start3A_27 : memref<512xi32, #tpu.memory_space<hbm>>) target(%arg9 : memref<512xi32, #tpu.memory_space<vmem>>) target_semaphore(%run_scoped3A_23 : memref<!tpu.dma_semaphore, #tpu.memory_space<semaphore_mem>>)
      %dma_wait3A_28 = tpu.memref_slice %arg6[%run_scoped3A_3, %mul3A_2] : memref<2x16384xi32, #tpu.memory_space<hbm>> -> memref<1x512xi32, #tpu.memory_space<hbm>>
      %dma_wait3A_29 = tpu.memref_squeeze %dma_wait3A_28 : memref<1x512xi32, #tpu.memory_space<hbm>> -> memref<512xi32, #tpu.memory_space<hbm>>
      %dma_wait3A_30 = tpu.memref_slice %arg6[%run_scoped3A_3, %mul3A_2] : memref<2x16384xi32, #tpu.memory_space<hbm>> -> memref<1x512xi32, #tpu.memory_space<hbm>>
      %dma_wait3A_31 = tpu.memref_squeeze %dma_wait3A_30 : memref<1x512xi32, #tpu.memory_space<hbm>> -> memref<512xi32, #tpu.memory_space<hbm>>
      tpu.wait_dma2 semaphore(%run_scoped3A_23 : memref<!tpu.dma_semaphore, #tpu.memory_space<semaphore_mem>>) src(%dma_wait3A_31 : memref<512xi32, #tpu.memory_space<hbm>>) dst(%arg9 : memref<512xi32, #tpu.memory_space<vmem>>)
      tpu.yield
    }) : () -> ()
    %dma_start3A = arith.constant 0 : i32
    %dma_start3A_4 = tpu.memref_slice %arg4[%dma_start3A] : memref<131072xi32, #tpu.memory_space<hbm>> -> memref<131072xi32, #tpu.memory_space<hbm>>
    tpu.enqueue_indirect_dma source(%dma_start3A_4 : memref<131072xi32, #tpu.memory_space<hbm>>) target(%arg10 : memref<512xi32, #tpu.memory_space<vmem>>) offsets(%arg8 : memref<512xi32, #tpu.memory_space<vmem>>) semaphore(%arg17 : memref<!tpu.dma_semaphore, #tpu.memory_space<semaphore_mem>>)
    %dma_start3A_5 = arith.constant 0 : i32
    %dma_start3A_6 = tpu.memref_slice %arg5[%dma_start3A_5] : memref<131072xi32, #tpu.memory_space<hbm>> -> memref<131072xi32, #tpu.memory_space<hbm>>
    tpu.enqueue_indirect_dma source(%dma_start3A_6 : memref<131072xi32, #tpu.memory_space<hbm>>) target(%arg11 : memref<512xi32, #tpu.memory_space<vmem>>) offsets(%arg9 : memref<512xi32, #tpu.memory_space<vmem>>) semaphore(%arg17 : memref<!tpu.dma_semaphore, #tpu.memory_space<semaphore_mem>>)
    %dma_wait3A = arith.constant 0 : i32
    %dma_wait3A_7 = tpu.memref_slice %arg4[%dma_wait3A] : memref<131072xi32, #tpu.memory_space<hbm>> -> memref<131072xi32, #tpu.memory_space<hbm>>
    tpu.wait_indirect_dma semaphore(%arg17 : memref<!tpu.dma_semaphore, #tpu.memory_space<semaphore_mem>>) src(%dma_wait3A_7 : memref<131072xi32, #tpu.memory_space<hbm>>) dst(%arg10 : memref<512xi32, #tpu.memory_space<vmem>>)
    %dma_wait3A_8 = arith.constant 0 : i32
    %dma_wait3A_9 = tpu.memref_slice %arg5[%dma_wait3A_8] : memref<131072xi32, #tpu.memory_space<hbm>> -> memref<131072xi32, #tpu.memory_space<hbm>>
    tpu.wait_indirect_dma semaphore(%arg17 : memref<!tpu.dma_semaphore, #tpu.memory_space<semaphore_mem>>) src(%dma_wait3A_9 : memref<131072xi32, #tpu.memory_space<hbm>>) dst(%arg11 : memref<512xi32, #tpu.memory_space<vmem>>)
    %scan3A = arith.constant 0 : i32
    %scan3A_10 = arith.constant 0 : i32
    %scan3A_11 = arith.constant 32 : i32
    %scan3A_12 = arith.addi %scan3A_10, %scan3A_11 : i32
    %scan3A_13 = arith.constant 4 : i32
    %scan3A_14 = scf.for %scan3A_23 = %scan3A_10 to %scan3A_12 step %scan3A_13 iter_args(%scan3A_24 = %scan3A) -> (i32)  : i32 {
      %mul3A_25 = arith.constant 16 : i32
      %mul3A_26 = arith.muli %scan3A_23, %mul3A_25 : i32
      %get3A = arith.index_cast %mul3A_26 : i32 to index
      %get3A_27 = tpu.vector_load %arg10[%get3A] {strides = array<i32>} : memref<512xi32, #tpu.memory_space<vmem>>, vector<16xi32>,
      %get3A_28 = arith.index_cast %mul3A_26 : i32 to index
      %get3A_29 = tpu.vector_load %arg11[%get3A_28] {strides = array<i32>} : memref<512xi32, #tpu.memory_space<vmem>>, vector<16xi32>,
      %and3A = arith.constant -8 : i32
      %and3A_30 = vector.broadcast %and3A : i32 to vector<16xi32>
      %and3A_31 = arith.andi %get3A_27, %and3A_30 : vector<16xi32>
      %swap3A = arith.index_cast %mul3A_26 : i32 to index
      %swap3A_32 = tpu.vector_load %arg12[%swap3A] {strides = array<i32>} : memref<512xi32, #tpu.memory_space<vmem>>, vector<16xi32>,
      tpu.vector_store %arg12[%swap3A], %and3A_31 {strides = array<i32>} : memref<512xi32, #tpu.memory_space<vmem>>, vector<16xi32>,
      %and3A_33 = arith.constant -8 : i32
      %and3A_34 = vector.broadcast %and3A_33 : i32 to vector<16xi32>
      %and3A_35 = arith.andi %get3A_29, %and3A_34 : vector<16xi32>
      %swap3A_36 = arith.index_cast %mul3A_26 : i32 to index
      %swap3A_37 = tpu.vector_load %arg13[%swap3A_36] {strides = array<i32>} : memref<512xi32, #tpu.memory_space<vmem>>, vector<16xi32>,
      tpu.vector_store %arg13[%swap3A_36], %and3A_35 {strides = array<i32>} : memref<512xi32, #tpu.memory_space<vmem>>, vector<16xi32>,
      %and3A_38 = arith.constant 7 : i32
      %and3A_39 = vector.broadcast %and3A_38 : i32 to vector<16xi32>
      %and3A_40 = arith.andi %get3A_27, %and3A_39 : vector<16xi32>
      %swap3A_41 = arith.index_cast %mul3A_26 : i32 to index
      %swap3A_42 = tpu.vector_load %arg10[%swap3A_41] {strides = array<i32>} : memref<512xi32, #tpu.memory_space<vmem>>, vector<16xi32>,
      tpu.vector_store %arg10[%swap3A_41], %and3A_40 {strides = array<i32>} : memref<512xi32, #tpu.memory_space<vmem>>, vector<16xi32>,
      %and3A_43 = arith.constant 7 : i32
      %and3A_44 = vector.broadcast %and3A_43 : i32 to vector<16xi32>
      %and3A_45 = arith.andi %get3A_29, %and3A_44 : vector<16xi32>
      %swap3A_46 = arith.index_cast %mul3A_26 : i32 to index
      %swap3A_47 = tpu.vector_load %arg11[%swap3A_46] {strides = array<i32>} : memref<512xi32, #tpu.memory_space<vmem>>, vector<16xi32>,
      tpu.vector_store %arg11[%swap3A_46], %and3A_45 {strides = array<i32>} : memref<512xi32, #tpu.memory_space<vmem>>, vector<16xi32>,
      %scan3A_48 = arith.constant 0 : i32
      %scan3A_49 = arith.constant 1 : i32
      %scan3A_50 = arith.addi %scan3A_23, %scan3A_49 : i32
      %mul3A_51 = arith.constant 16 : i32
      %mul3A_52 = arith.muli %scan3A_50, %mul3A_51 : i32
      %get3A_53 = arith.index_cast %mul3A_52 : i32 to index
      %get3A_54 = tpu.vector_load %arg10[%get3A_53] {strides = array<i32>} : memref<512xi32, #tpu.memory_space<vmem>>, vector<16xi32>,
      %get3A_55 = arith.index_cast %mul3A_52 : i32 to index
      %get3A_56 = tpu.vector_load %arg11[%get3A_55] {strides = array<i32>} : memref<512xi32, #tpu.memory_space<vmem>>, vector<16xi32>,
      %and3A_57 = arith.constant -8 : i32
      %and3A_58 = vector.broadcast %and3A_57 : i32 to vector<16xi32>
      %and3A_59 = arith.andi %get3A_54, %and3A_58 : vector<16xi32>
      %swap3A_60 = arith.index_cast %mul3A_52 : i32 to index
      %swap3A_61 = tpu.vector_load %arg12[%swap3A_60] {strides = array<i32>} : memref<512xi32, #tpu.memory_space<vmem>>, vector<16xi32>,
      tpu.vector_store %arg12[%swap3A_60], %and3A_59 {strides = array<i32>} : memref<512xi32, #tpu.memory_space<vmem>>, vector<16xi32>,
      %and3A_62 = arith.constant -8 : i32
      %and3A_63 = vector.broadcast %and3A_62 : i32 to vector<16xi32>
      %and3A_64 = arith.andi %get3A_56, %and3A_63 : vector<16xi32>
      %swap3A_65 = arith.index_cast %mul3A_52 : i32 to index
      %swap3A_66 = tpu.vector_load %arg13[%swap3A_65] {strides = array<i32>} : memref<512xi32, #tpu.memory_space<vmem>>, vector<16xi32>,
      tpu.vector_store %arg13[%swap3A_65], %and3A_64 {strides = array<i32>} : memref<512xi32, #tpu.memory_space<vmem>>, vector<16xi32>,
      %and3A_67 = arith.constant 7 : i32
      %and3A_68 = vector.broadcast %and3A_67 : i32 to vector<16xi32>
      %and3A_69 = arith.andi %get3A_54, %and3A_68 : vector<16xi32>
      %swap3A_70 = arith.index_cast %mul3A_52 : i32 to index
      %swap3A_71 = tpu.vector_load %arg10[%swap3A_70] {strides = array<i32>} : memref<512xi32, #tpu.memory_space<vmem>>, vector<16xi32>,
      tpu.vector_store %arg10[%swap3A_70], %and3A_69 {strides = array<i32>} : memref<512xi32, #tpu.memory_space<vmem>>, vector<16xi32>,
      %and3A_72 = arith.constant 7 : i32
      %and3A_73 = vector.broadcast %and3A_72 : i32 to vector<16xi32>
      %and3A_74 = arith.andi %get3A_56, %and3A_73 : vector<16xi32>
      %swap3A_75 = arith.index_cast %mul3A_52 : i32 to index
      %swap3A_76 = tpu.vector_load %arg11[%swap3A_75] {strides = array<i32>} : memref<512xi32, #tpu.memory_space<vmem>>, vector<16xi32>,
      tpu.vector_store %arg11[%swap3A_75], %and3A_74 {strides = array<i32>} : memref<512xi32, #tpu.memory_space<vmem>>, vector<16xi32>,
      %scan3A_77 = arith.constant 0 : i32
      %scan3A_78 = arith.constant 2 : i32
      %scan3A_79 = arith.addi %scan3A_23, %scan3A_78 : i32
      %mul3A_80 = arith.constant 16 : i32
      %mul3A_81 = arith.muli %scan3A_79, %mul3A_80 : i32
      %get3A_82 = arith.index_cast %mul3A_81 : i32 to index
      %get3A_83 = tpu.vector_load %arg10[%get3A_82] {strides = array<i32>} : memref<512xi32, #tpu.memory_space<vmem>>, vector<16xi32>,
      %get3A_84 = arith.index_cast %mul3A_81 : i32 to index
      %get3A_85 = tpu.vector_load %arg11[%get3A_84] {strides = array<i32>} : memref<512xi32, #tpu.memory_space<vmem>>, vector<16xi32>,
      %and3A_86 = arith.constant -8 : i32
      %and3A_87 = vector.broadcast %and3A_86 : i32 to vector<16xi32>
      %and3A_88 = arith.andi %get3A_83, %and3A_87 : vector<16xi32>
      %swap3A_89 = arith.index_cast %mul3A_81 : i32 to index
      %swap3A_90 = tpu.vector_load %arg12[%swap3A_89] {strides = array<i32>} : memref<512xi32, #tpu.memory_space<vmem>>, vector<16xi32>,
      tpu.vector_store %arg12[%swap3A_89], %and3A_88 {strides = array<i32>} : memref<512xi32, #tpu.memory_space<vmem>>, vector<16xi32>,
      %and3A_91 = arith.constant -8 : i32
      %and3A_92 = vector.broadcast %and3A_91 : i32 to vector<16xi32>
      %and3A_93 = arith.andi %get3A_85, %and3A_92 : vector<16xi32>
      %swap3A_94 = arith.index_cast %mul3A_81 : i32 to index
      %swap3A_95 = tpu.vector_load %arg13[%swap3A_94] {strides = array<i32>} : memref<512xi32, #tpu.memory_space<vmem>>, vector<16xi32>,
      tpu.vector_store %arg13[%swap3A_94], %and3A_93 {strides = array<i32>} : memref<512xi32, #tpu.memory_space<vmem>>, vector<16xi32>,
      %and3A_96 = arith.constant 7 : i32
      %and3A_97 = vector.broadcast %and3A_96 : i32 to vector<16xi32>
      %and3A_98 = arith.andi %get3A_83, %and3A_97 : vector<16xi32>
      %swap3A_99 = arith.index_cast %mul3A_81 : i32 to index
      %swap3A_100 = tpu.vector_load %arg10[%swap3A_99] {strides = array<i32>} : memref<512xi32, #tpu.memory_space<vmem>>, vector<16xi32>,
      tpu.vector_store %arg10[%swap3A_99], %and3A_98 {strides = array<i32>} : memref<512xi32, #tpu.memory_space<vmem>>, vector<16xi32>,
      %and3A_101 = arith.constant 7 : i32
      %and3A_102 = vector.broadcast %and3A_101 : i32 to vector<16xi32>
      %and3A_103 = arith.andi %get3A_85, %and3A_102 : vector<16xi32>
      %swap3A_104 = arith.index_cast %mul3A_81 : i32 to index
      %swap3A_105 = tpu.vector_load %arg11[%swap3A_104] {strides = array<i32>} : memref<512xi32, #tpu.memory_space<vmem>>, vector<16xi32>,
      tpu.vector_store %arg11[%swap3A_104], %and3A_103 {strides = array<i32>} : memref<512xi32, #tpu.memory_space<vmem>>, vector<16xi32>,
      %scan3A_106 = arith.constant 0 : i32
      %scan3A_107 = arith.constant 3 : i32
      %scan3A_108 = arith.addi %scan3A_23, %scan3A_107 : i32
      %mul3A_109 = arith.constant 16 : i32
      %mul3A_110 = arith.muli %scan3A_108, %mul3A_109 : i32
      %get3A_111 = arith.index_cast %mul3A_110 : i32 to index
      %get3A_112 = tpu.vector_load %arg10[%get3A_111] {strides = array<i32>} : memref<512xi32, #tpu.memory_space<vmem>>, vector<16xi32>,
      %get3A_113 = arith.index_cast %mul3A_110 : i32 to index
      %get3A_114 = tpu.vector_load %arg11[%get3A_113] {strides = array<i32>} : memref<512xi32, #tpu.memory_space<vmem>>, vector<16xi32>,
      %and3A_115 = arith.constant -8 : i32
      %and3A_116 = vector.broadcast %and3A_115 : i32 to vector<16xi32>
      %and3A_117 = arith.andi %get3A_112, %and3A_116 : vector<16xi32>
      %swap3A_118 = arith.index_cast %mul3A_110 : i32 to index
      %swap3A_119 = tpu.vector_load %arg12[%swap3A_118] {strides = array<i32>} : memref<512xi32, #tpu.memory_space<vmem>>, vector<16xi32>,
      tpu.vector_store %arg12[%swap3A_118], %and3A_117 {strides = array<i32>} : memref<512xi32, #tpu.memory_space<vmem>>, vector<16xi32>,
      %and3A_120 = arith.constant -8 : i32
      %and3A_121 = vector.broadcast %and3A_120 : i32 to vector<16xi32>
      %and3A_122 = arith.andi %get3A_114, %and3A_121 : vector<16xi32>
      %swap3A_123 = arith.index_cast %mul3A_110 : i32 to index
      %swap3A_124 = tpu.vector_load %arg13[%swap3A_123] {strides = array<i32>} : memref<512xi32, #tpu.memory_space<vmem>>, vector<16xi32>,
      tpu.vector_store %arg13[%swap3A_123], %and3A_122 {strides = array<i32>} : memref<512xi32, #tpu.memory_space<vmem>>, vector<16xi32>,
      %and3A_125 = arith.constant 7 : i32
      %and3A_126 = vector.broadcast %and3A_125 : i32 to vector<16xi32>
      %and3A_127 = arith.andi %get3A_112, %and3A_126 : vector<16xi32>
      %swap3A_128 = arith.index_cast %mul3A_110 : i32 to index
      %swap3A_129 = tpu.vector_load %arg10[%swap3A_128] {strides = array<i32>} : memref<512xi32, #tpu.memory_space<vmem>>, vector<16xi32>,
      tpu.vector_store %arg10[%swap3A_128], %and3A_127 {strides = array<i32>} : memref<512xi32, #tpu.memory_space<vmem>>, vector<16xi32>,
      %and3A_130 = arith.constant 7 : i32
      %and3A_131 = vector.broadcast %and3A_130 : i32 to vector<16xi32>
      %and3A_132 = arith.andi %get3A_114, %and3A_131 : vector<16xi32>
      %swap3A_133 = arith.index_cast %mul3A_110 : i32 to index
      %swap3A_134 = tpu.vector_load %arg11[%swap3A_133] {strides = array<i32>} : memref<512xi32, #tpu.memory_space<vmem>>, vector<16xi32>,
      tpu.vector_store %arg11[%swap3A_133], %and3A_132 {strides = array<i32>} : memref<512xi32, #tpu.memory_space<vmem>>, vector<16xi32>,
      %scan3A_135 = arith.constant 0 : i32
      scf.yield %scan3A_135 : i32
    }
    %scan3A_15 = arith.constant 32 : i32
    %scan3A_16 = arith.constant 0 : i32
    %scan3A_17 = arith.constant 0 : i32
    %scan3A_18 = arith.constant 16 : i32
    %scan3A_19 = arith.addi %scan3A_17, %scan3A_18 : i32
    %scan3A_20 = arith.constant 1 : i32
    %scan3A_21 = scf.for %scan3A_23 = %scan3A_17 to %scan3A_19 step %scan3A_20 iter_args(%scan3A_24 = %scan3A_16) -> (i32)  : i32 {
      %mul3A_25 = arith.constant 32 : i32
      %mul3A_26 = arith.muli %scan3A_23, %mul3A_25 : i32
      %scan3A_27 = arith.constant 0 : i32
      %scan3A_28 = arith.constant 0 : i32
      %scan3A_29 = arith.constant 2 : i32
      %scan3A_30 = arith.addi %scan3A_28, %scan3A_29 : i32
      %scan3A_31 = arith.constant 1 : i32
      %scan3A_32 = scf.for %scan3A_54 = %scan3A_28 to %scan3A_30 step %scan3A_31 iter_args(%scan3A_55 = %scan3A_27) -> (i32)  : i32 {
        %mul3A_56 = arith.constant 16 : i32
        %mul3A_57 = arith.muli %scan3A_54, %mul3A_56 : i32
        %add3A_58 = arith.addi %mul3A_26, %mul3A_57 : i32
        %get3A = arith.index_cast %add3A_58 : i32 to index
        %get3A_59 = tpu.vector_load %arg12[%get3A] {strides = array<i32>} : memref<512xi32, #tpu.memory_space<vmem>>, vector<16xi32>,
        %mul3A_60 = arith.constant 16 : i32
        %mul3A_61 = arith.muli %scan3A_54, %mul3A_60 : i32
        %add3A_62 = arith.addi %mul3A_26, %mul3A_61 : i32
        %get3A_63 = arith.index_cast %add3A_62 : i32 to index
        %get3A_64 = tpu.vector_load %arg13[%get3A_63] {strides = array<i32>} : memref<512xi32, #tpu.memory_space<vmem>>, vector<16xi32>,
        %mul3A_65 = arith.constant 16 : i32
        %mul3A_66 = arith.muli %scan3A_54, %mul3A_65 : i32
        %add3A_67 = arith.constant 0 : i32
        %add3A_68 = arith.addi %mul3A_66, %add3A_67 : i32
        %slice3A = vector.extract_strided_slice %get3A_59 {offsets = [0], sizes = [1], strides = [1]} : vector<16xi32> to vector<1xi32>
        %squeeze3A = vector.extract %slice3A[0] : i32 from vector<1xi32>
        %multiple_of3A = tpu.assume_multiple %squeeze3A, 8 : i32
        %mul3A_69 = arith.constant 8 : i32
        %mul3A_70 = arith.muli %add3A_68, %mul3A_69 : i32
        %dma_start3A_71 = arith.constant 0 : i32
        %dma_start3A_72 = tpu.memref_slice %arg14[%mul3A_70, %dma_start3A_71] : memref<256x64xf32, #tpu.memory_space<vmem>> -> memref<8x64xf32, #tpu.memory_space<vmem>>
        %dma_start3A_73 = arith.constant 0 : i32
        %dma_start3A_74 = tpu.memref_slice %arg2[%multiple_of3A, %dma_start3A_73] : memref<1000000x64xf32, #tpu.memory_space<hbm>> -> memref<8x64xf32, #tpu.memory_space<hbm>>
        %dma_start3A_75 = arith.constant 0 : i32
        %dma_start3A_76 = tpu.memref_slice %arg14[%mul3A_70, %dma_start3A_75] : memref<256x64xf32, #tpu.memory_space<vmem>> -> memref<8x64xf32, #tpu.memory_space<vmem>>
        %dma_start3A_77 = arith.constant 0 : i32
        %dma_start3A_78 = tpu.memref_slice %arg2[%multiple_of3A, %dma_start3A_77] : memref<1000000x64xf32, #tpu.memory_space<hbm>> -> memref<8x64xf32, #tpu.memory_space<hbm>>
        tpu.enqueue_dma source(%dma_start3A_78 : memref<8x64xf32, #tpu.memory_space<hbm>>) target(%dma_start3A_76 : memref<8x64xf32, #tpu.memory_space<vmem>>) target_semaphore(%arg17 : memref<!tpu.dma_semaphore, #tpu.memory_space<semaphore_mem>>)
        %slice3A_79 = vector.extract_strided_slice %get3A_64 {offsets = [0], sizes = [1], strides = [1]} : vector<16xi32> to vector<1xi32>
        %squeeze3A_80 = vector.extract %slice3A_79[0] : i32 from vector<1xi32>
        %multiple_of3A_81 = tpu.assume_multiple %squeeze3A_80, 8 : i32
        %mul3A_82 = arith.constant 8 : i32
        %mul3A_83 = arith.muli %add3A_68, %mul3A_82 : i32
        %dma_start3A_84 = arith.constant 0 : i32
        %dma_start3A_85 = tpu.memref_slice %arg15[%mul3A_83, %dma_start3A_84] : memref<256x64xf32, #tpu.memory_space<vmem>> -> memref<8x64xf32, #tpu.memory_space<vmem>>
        %dma_start3A_86 = arith.constant 0 : i32
        %dma_start3A_87 = tpu.memref_slice %arg3[%multiple_of3A_81, %dma_start3A_86] : memref<1000000x64xf32, #tpu.memory_space<hbm>> -> memref<8x64xf32, #tpu.memory_space<hbm>>
        %dma_start3A_88 = arith.constant 0 : i32
        %dma_start3A_89 = tpu.memref_slice %arg15[%mul3A_83, %dma_start3A_88] : memref<256x64xf32, #tpu.memory_space<vmem>> -> memref<8x64xf32, #tpu.memory_space<vmem>>
        %dma_start3A_90 = arith.constant 0 : i32
        %dma_start3A_91 = tpu.memref_slice %arg3[%multiple_of3A_81, %dma_start3A_90] : memref<1000000x64xf32, #tpu.memory_space<hbm>> -> memref<8x64xf32, #tpu.memory_space<hbm>>
        tpu.enqueue_dma source(%dma_start3A_91 : memref<8x64xf32, #tpu.memory_space<hbm>>) target(%dma_start3A_89 : memref<8x64xf32, #tpu.memory_space<vmem>>) target_semaphore(%arg17 : memref<!tpu.dma_semaphore, #tpu.memory_space<semaphore_mem>>)
        %mul3A_92 = arith.constant 16 : i32
        %mul3A_93 = arith.muli %scan3A_54, %mul3A_92 : i32
        %add3A_94 = arith.constant 1 : i32
        %add3A_95 = arith.addi %mul3A_93, %add3A_94 : i32
        %slice3A_96 = vector.extract_strided_slice %get3A_59 {offsets = [1], sizes = [1], strides = [1]} : vector<16xi32> to vector<1xi32>
        %squeeze3A_97 = vector.extract %slice3A_96[0] : i32 from vector<1xi32>
        %multiple_of3A_98 = tpu.assume_multiple %squeeze3A_97, 8 : i32
        %mul3A_99 = arith.constant 8 : i32
        %mul3A_100 = arith.muli %add3A_95, %mul3A_99 : i32
        %dma_start3A_101 = arith.constant 0 : i32
        %dma_start3A_102 = tpu.memref_slice %arg14[%mul3A_100, %dma_start3A_101] : memref<256x64xf32, #tpu.memory_space<vmem>> -> memref<8x64xf32, #tpu.memory_space<vmem>>
        %dma_start3A_103 = arith.constant 0 : i32
        %dma_start3A_104 = tpu.memref_slice %arg2[%multiple_of3A_98, %dma_start3A_103] : memref<1000000x64xf32, #tpu.memory_space<hbm>> -> memref<8x64xf32, #tpu.memory_space<hbm>>
        %dma_start3A_105 = arith.constant 0 : i32
        %dma_start3A_106 = tpu.memref_slice %arg14[%mul3A_100, %dma_start3A_105] : memref<256x64xf32, #tpu.memory_space<vmem>> -> memref<8x64xf32, #tpu.memory_space<vmem>>
        %dma_start3A_107 = arith.constant 0 : i32
        %dma_start3A_108 = tpu.memref_slice %arg2[%multiple_of3A_98, %dma_start3A_107] : memref<1000000x64xf32, #tpu.memory_space<hbm>> -> memref<8x64xf32, #tpu.memory_space<hbm>>
        tpu.enqueue_dma source(%dma_start3A_108 : memref<8x64xf32, #tpu.memory_space<hbm>>) target(%dma_start3A_106 : memref<8x64xf32, #tpu.memory_space<vmem>>) target_semaphore(%arg17 : memref<!tpu.dma_semaphore, #tpu.memory_space<semaphore_mem>>)
        %slice3A_109 = vector.extract_strided_slice %get3A_64 {offsets = [1], sizes = [1], strides = [1]} : vector<16xi32> to vector<1xi32>
        %squeeze3A_110 = vector.extract %slice3A_109[0] : i32 from vector<1xi32>
        %multiple_of3A_111 = tpu.assume_multiple %squeeze3A_110, 8 : i32
        %mul3A_112 = arith.constant 8 : i32
        %mul3A_113 = arith.muli %add3A_95, %mul3A_112 : i32
        %dma_start3A_114 = arith.constant 0 : i32
        %dma_start3A_115 = tpu.memref_slice %arg15[%mul3A_113, %dma_start3A_114] : memref<256x64xf32, #tpu.memory_space<vmem>> -> memref<8x64xf32, #tpu.memory_space<vmem>>
        %dma_start3A_116 = arith.constant 0 : i32
        %dma_start3A_117 = tpu.memref_slice %arg3[%multiple_of3A_111, %dma_start3A_116] : memref<1000000x64xf32, #tpu.memory_space<hbm>> -> memref<8x64xf32, #tpu.memory_space<hbm>>
        %dma_start3A_118 = arith.constant 0 : i32
        %dma_start3A_119 = tpu.memref_slice %arg15[%mul3A_113, %dma_start3A_118] : memref<256x64xf32, #tpu.memory_space<vmem>> -> memref<8x64xf32, #tpu.memory_space<vmem>>
        %dma_start3A_120 = arith.constant 0 : i32
        %dma_start3A_121 = tpu.memref_slice %arg3[%multiple_of3A_111, %dma_start3A_120] : memref<1000000x64xf32, #tpu.memory_space<hbm>> -> memref<8x64xf32, #tpu.memory_space<hbm>>
        tpu.enqueue_dma source(%dma_start3A_121 : memref<8x64xf32, #tpu.memory_space<hbm>>) target(%dma_start3A_119 : memref<8x64xf32, #tpu.memory_space<vmem>>) target_semaphore(%arg17 : memref<!tpu.dma_semaphore, #tpu.memory_space<semaphore_mem>>)
        %mul3A_122 = arith.constant 16 : i32
        %mul3A_123 = arith.muli %scan3A_54, %mul3A_122 : i32
        %add3A_124 = arith.constant 2 : i32
        %add3A_125 = arith.addi %mul3A_123, %add3A_124 : i32
        %slice3A_126 = vector.extract_strided_slice %get3A_59 {offsets = [2], sizes = [1], strides = [1]} : vector<16xi32> to vector<1xi32>
        %squeeze3A_127 = vector.extract %slice3A_126[0] : i32 from vector<1xi32>
        %multiple_of3A_128 = tpu.assume_multiple %squeeze3A_127, 8 : i32
        %mul3A_129 = arith.constant 8 : i32
        %mul3A_130 = arith.muli %add3A_125, %mul3A_129 : i32
        %dma_start3A_131 = arith.constant 0 : i32
        %dma_start3A_132 = tpu.memref_slice %arg14[%mul3A_130, %dma_start3A_131] : memref<256x64xf32, #tpu.memory_space<vmem>> -> memref<8x64xf32, #tpu.memory_space<vmem>>
        %dma_start3A_133 = arith.constant 0 : i32
        %dma_start3A_134 = tpu.memref_slice %arg2[%multiple_of3A_128, %dma_start3A_133] : memref<1000000x64xf32, #tpu.memory_space<hbm>> -> memref<8x64xf32, #tpu.memory_space<hbm>>
        %dma_start3A_135 = arith.constant 0 : i32
        %dma_start3A_136 = tpu.memref_slice %arg14[%mul3A_130, %dma_start3A_135] : memref<256x64xf32, #tpu.memory_space<vmem>> -> memref<8x64xf32, #tpu.memory_space<vmem>>
        %dma_start3A_137 = arith.constant 0 : i32
        %dma_start3A_138 = tpu.memref_slice %arg2[%multiple_of3A_128, %dma_start3A_137] : memref<1000000x64xf32, #tpu.memory_space<hbm>> -> memref<8x64xf32, #tpu.memory_space<hbm>>
        tpu.enqueue_dma source(%dma_start3A_138 : memref<8x64xf32, #tpu.memory_space<hbm>>) target(%dma_start3A_136 : memref<8x64xf32, #tpu.memory_space<vmem>>) target_semaphore(%arg17 : memref<!tpu.dma_semaphore, #tpu.memory_space<semaphore_mem>>)
        %slice3A_139 = vector.extract_strided_slice %get3A_64 {offsets = [2], sizes = [1], strides = [1]} : vector<16xi32> to vector<1xi32>
        %squeeze3A_140 = vector.extract %slice3A_139[0] : i32 from vector<1xi32>
        %multiple_of3A_141 = tpu.assume_multiple %squeeze3A_140, 8 : i32
        %mul3A_142 = arith.constant 8 : i32
        %mul3A_143 = arith.muli %add3A_125, %mul3A_142 : i32
        %dma_start3A_144 = arith.constant 0 : i32
        %dma_start3A_145 = tpu.memref_slice %arg15[%mul3A_143, %dma_start3A_144] : memref<256x64xf32, #tpu.memory_space<vmem>> -> memref<8x64xf32, #tpu.memory_space<vmem>>
        %dma_start3A_146 = arith.constant 0 : i32
        %dma_start3A_147 = tpu.memref_slice %arg3[%multiple_of3A_141, %dma_start3A_146] : memref<1000000x64xf32, #tpu.memory_space<hbm>> -> memref<8x64xf32, #tpu.memory_space<hbm>>
        %dma_start3A_148 = arith.constant 0 : i32
        %dma_start3A_149 = tpu.memref_slice %arg15[%mul3A_143, %dma_start3A_148] : memref<256x64xf32, #tpu.memory_space<vmem>> -> memref<8x64xf32, #tpu.memory_space<vmem>>
        %dma_start3A_150 = arith.constant 0 : i32
        %dma_start3A_151 = tpu.memref_slice %arg3[%multiple_of3A_141, %dma_start3A_150] : memref<1000000x64xf32, #tpu.memory_space<hbm>> -> memref<8x64xf32, #tpu.memory_space<hbm>>
        tpu.enqueue_dma source(%dma_start3A_151 : memref<8x64xf32, #tpu.memory_space<hbm>>) target(%dma_start3A_149 : memref<8x64xf32, #tpu.memory_space<vmem>>) target_semaphore(%arg17 : memref<!tpu.dma_semaphore, #tpu.memory_space<semaphore_mem>>)
        %mul3A_152 = arith.constant 16 : i32
        %mul3A_153 = arith.muli %scan3A_54, %mul3A_152 : i32
        %add3A_154 = arith.constant 3 : i32
        %add3A_155 = arith.addi %mul3A_153, %add3A_154 : i32
        %slice3A_156 = vector.extract_strided_slice %get3A_59 {offsets = [3], sizes = [1], strides = [1]} : vector<16xi32> to vector<1xi32>
        %squeeze3A_157 = vector.extract %slice3A_156[0] : i32 from vector<1xi32>
        %multiple_of3A_158 = tpu.assume_multiple %squeeze3A_157, 8 : i32
        %mul3A_159 = arith.constant 8 : i32
        %mul3A_160 = arith.muli %add3A_155, %mul3A_159 : i32
        %dma_start3A_161 = arith.constant 0 : i32
        %dma_start3A_162 = tpu.memref_slice %arg14[%mul3A_160, %dma_start3A_161] : memref<256x64xf32, #tpu.memory_space<vmem>> -> memref<8x64xf32, #tpu.memory_space<vmem>>
        %dma_start3A_163 = arith.constant 0 : i32
        %dma_start3A_164 = tpu.memref_slice %arg2[%multiple_of3A_158, %dma_start3A_163] : memref<1000000x64xf32, #tpu.memory_space<hbm>> -> memref<8x64xf32, #tpu.memory_space<hbm>>
        %dma_start3A_165 = arith.constant 0 : i32
        %dma_start3A_166 = tpu.memref_slice %arg14[%mul3A_160, %dma_start3A_165] : memref<256x64xf32, #tpu.memory_space<vmem>> -> memref<8x64xf32, #tpu.memory_space<vmem>>
        %dma_start3A_167 = arith.constant 0 : i32
        %dma_start3A_168 = tpu.memref_slice %arg2[%multiple_of3A_158, %dma_start3A_167] : memref<1000000x64xf32, #tpu.memory_space<hbm>> -> memref<8x64xf32, #tpu.memory_space<hbm>>
        tpu.enqueue_dma source(%dma_start3A_168 : memref<8x64xf32, #tpu.memory_space<hbm>>) target(%dma_start3A_166 : memref<8x64xf32, #tpu.memory_space<vmem>>) target_semaphore(%arg17 : memref<!tpu.dma_semaphore, #tpu.memory_space<semaphore_mem>>)
        %slice3A_169 = vector.extract_strided_slice %get3A_64 {offsets = [3], sizes = [1], strides = [1]} : vector<16xi32> to vector<1xi32>
        %squeeze3A_170 = vector.extract %slice3A_169[0] : i32 from vector<1xi32>
        %multiple_of3A_171 = tpu.assume_multiple %squeeze3A_170, 8 : i32
        %mul3A_172 = arith.constant 8 : i32
        %mul3A_173 = arith.muli %add3A_155, %mul3A_172 : i32
        %dma_start3A_174 = arith.constant 0 : i32
        %dma_start3A_175 = tpu.memref_slice %arg15[%mul3A_173, %dma_start3A_174] : memref<256x64xf32, #tpu.memory_space<vmem>> -> memref<8x64xf32, #tpu.memory_space<vmem>>
        %dma_start3A_176 = arith.constant 0 : i32
        %dma_start3A_177 = tpu.memref_slice %arg3[%multiple_of3A_171, %dma_start3A_176] : memref<1000000x64xf32, #tpu.memory_space<hbm>> -> memref<8x64xf32, #tpu.memory_space<hbm>>
        %dma_start3A_178 = arith.constant 0 : i32
        %dma_start3A_179 = tpu.memref_slice %arg15[%mul3A_173, %dma_start3A_178] : memref<256x64xf32, #tpu.memory_space<vmem>> -> memref<8x64xf32, #tpu.memory_space<vmem>>
        %dma_start3A_180 = arith.constant 0 : i32
        %dma_start3A_181 = tpu.memref_slice %arg3[%multiple_of3A_171, %dma_start3A_180] : memref<1000000x64xf32, #tpu.memory_space<hbm>> -> memref<8x64xf32, #tpu.memory_space<hbm>>
        tpu.enqueue_dma source(%dma_start3A_181 : memref<8x64xf32, #tpu.memory_space<hbm>>) target(%dma_start3A_179 : memref<8x64xf32, #tpu.memory_space<vmem>>) target_semaphore(%arg17 : memref<!tpu.dma_semaphore, #tpu.memory_space<semaphore_mem>>)
        %mul3A_182 = arith.constant 16 : i32
        %mul3A_183 = arith.muli %scan3A_54, %mul3A_182 : i32
        %add3A_184 = arith.constant 4 : i32
        %add3A_185 = arith.addi %mul3A_183, %add3A_184 : i32
        %slice3A_186 = vector.extract_strided_slice %get3A_59 {offsets = [4], sizes = [1], strides = [1]} : vector<16xi32> to vector<1xi32>
        %squeeze3A_187 = vector.extract %slice3A_186[0] : i32 from vector<1xi32>
        %multiple_of3A_188 = tpu.assume_multiple %squeeze3A_187, 8 : i32
        %mul3A_189 = arith.constant 8 : i32
        %mul3A_190 = arith.muli %add3A_185, %mul3A_189 : i32
        %dma_start3A_191 = arith.constant 0 : i32
        %dma_start3A_192 = tpu.memref_slice %arg14[%mul3A_190, %dma_start3A_191] : memref<256x64xf32, #tpu.memory_space<vmem>> -> memref<8x64xf32, #tpu.memory_space<vmem>>
        %dma_start3A_193 = arith.constant 0 : i32
        %dma_start3A_194 = tpu.memref_slice %arg2[%multiple_of3A_188, %dma_start3A_193] : memref<1000000x64xf32, #tpu.memory_space<hbm>> -> memref<8x64xf32, #tpu.memory_space<hbm>>
        %dma_start3A_195 = arith.constant 0 : i32
        %dma_start3A_196 = tpu.memref_slice %arg14[%mul3A_190, %dma_start3A_195] : memref<256x64xf32, #tpu.memory_space<vmem>> -> memref<8x64xf32, #tpu.memory_space<vmem>>
        %dma_start3A_197 = arith.constant 0 : i32
        %dma_start3A_198 = tpu.memref_slice %arg2[%multiple_of3A_188, %dma_start3A_197] : memref<1000000x64xf32, #tpu.memory_space<hbm>> -> memref<8x64xf32, #tpu.memory_space<hbm>>
        tpu.enqueue_dma source(%dma_start3A_198 : memref<8x64xf32, #tpu.memory_space<hbm>>) target(%dma_start3A_196 : memref<8x64xf32, #tpu.memory_space<vmem>>) target_semaphore(%arg17 : memref<!tpu.dma_semaphore, #tpu.memory_space<semaphore_mem>>)
        %slice3A_199 = vector.extract_strided_slice %get3A_64 {offsets = [4], sizes = [1], strides = [1]} : vector<16xi32> to vector<1xi32>
        %squeeze3A_200 = vector.extract %slice3A_199[0] : i32 from vector<1xi32>
        %multiple_of3A_201 = tpu.assume_multiple %squeeze3A_200, 8 : i32
        %mul3A_202 = arith.constant 8 : i32
        %mul3A_203 = arith.muli %add3A_185, %mul3A_202 : i32
        %dma_start3A_204 = arith.constant 0 : i32
        %dma_start3A_205 = tpu.memref_slice %arg15[%mul3A_203, %dma_start3A_204] : memref<256x64xf32, #tpu.memory_space<vmem>> -> memref<8x64xf32, #tpu.memory_space<vmem>>
        %dma_start3A_206 = arith.constant 0 : i32
        %dma_start3A_207 = tpu.memref_slice %arg3[%multiple_of3A_201, %dma_start3A_206] : memref<1000000x64xf32, #tpu.memory_space<hbm>> -> memref<8x64xf32, #tpu.memory_space<hbm>>
        %dma_start3A_208 = arith.constant 0 : i32
        %dma_start3A_209 = tpu.memref_slice %arg15[%mul3A_203, %dma_start3A_208] : memref<256x64xf32, #tpu.memory_space<vmem>> -> memref<8x64xf32, #tpu.memory_space<vmem>>
        %dma_start3A_210 = arith.constant 0 : i32
        %dma_start3A_211 = tpu.memref_slice %arg3[%multiple_of3A_201, %dma_start3A_210] : memref<1000000x64xf32, #tpu.memory_space<hbm>> -> memref<8x64xf32, #tpu.memory_space<hbm>>
        tpu.enqueue_dma source(%dma_start3A_211 : memref<8x64xf32, #tpu.memory_space<hbm>>) target(%dma_start3A_209 : memref<8x64xf32, #tpu.memory_space<vmem>>) target_semaphore(%arg17 : memref<!tpu.dma_semaphore, #tpu.memory_space<semaphore_mem>>)
        %mul3A_212 = arith.constant 16 : i32
        %mul3A_213 = arith.muli %scan3A_54, %mul3A_212 : i32
        %add3A_214 = arith.constant 5 : i32
        %add3A_215 = arith.addi %mul3A_213, %add3A_214 : i32
        %slice3A_216 = vector.extract_strided_slice %get3A_59 {offsets = [5], sizes = [1], strides = [1]} : vector<16xi32> to vector<1xi32>
        %squeeze3A_217 = vector.extract %slice3A_216[0] : i32 from vector<1xi32>
        %multiple_of3A_218 = tpu.assume_multiple %squeeze3A_217, 8 : i32
        %mul3A_219 = arith.constant 8 : i32
        %mul3A_220 = arith.muli %add3A_215, %mul3A_219 : i32
        %dma_start3A_221 = arith.constant 0 : i32
        %dma_start3A_222 = tpu.memref_slice %arg14[%mul3A_220, %dma_start3A_221] : memref<256x64xf32, #tpu.memory_space<vmem>> -> memref<8x64xf32, #tpu.memory_space<vmem>>
        %dma_start3A_223 = arith.constant 0 : i32
        %dma_start3A_224 = tpu.memref_slice %arg2[%multiple_of3A_218, %dma_start3A_223] : memref<1000000x64xf32, #tpu.memory_space<hbm>> -> memref<8x64xf32, #tpu.memory_space<hbm>>
        %dma_start3A_225 = arith.constant 0 : i32
        %dma_start3A_226 = tpu.memref_slice %arg14[%mul3A_220, %dma_start3A_225] : memref<256x64xf32, #tpu.memory_space<vmem>> -> memref<8x64xf32, #tpu.memory_space<vmem>>
        %dma_start3A_227 = arith.constant 0 : i32
        %dma_start3A_228 = tpu.memref_slice %arg2[%multiple_of3A_218, %dma_start3A_227] : memref<1000000x64xf32, #tpu.memory_space<hbm>> -> memref<8x64xf32, #tpu.memory_space<hbm>>
        tpu.enqueue_dma source(%dma_start3A_228 : memref<8x64xf32, #tpu.memory_space<hbm>>) target(%dma_start3A_226 : memref<8x64xf32, #tpu.memory_space<vmem>>) target_semaphore(%arg17 : memref<!tpu.dma_semaphore, #tpu.memory_space<semaphore_mem>>)
        %slice3A_229 = vector.extract_strided_slice %get3A_64 {offsets = [5], sizes = [1], strides = [1]} : vector<16xi32> to vector<1xi32>
        %squeeze3A_230 = vector.extract %slice3A_229[0] : i32 from vector<1xi32>
        %multiple_of3A_231 = tpu.assume_multiple %squeeze3A_230, 8 : i32
        %mul3A_232 = arith.constant 8 : i32
        %mul3A_233 = arith.muli %add3A_215, %mul3A_232 : i32
        %dma_start3A_234 = arith.constant 0 : i32
        %dma_start3A_235 = tpu.memref_slice %arg15[%mul3A_233, %dma_start3A_234] : memref<256x64xf32, #tpu.memory_space<vmem>> -> memref<8x64xf32, #tpu.memory_space<vmem>>
        %dma_start3A_236 = arith.constant 0 : i32
        %dma_start3A_237 = tpu.memref_slice %arg3[%multiple_of3A_231, %dma_start3A_236] : memref<1000000x64xf32, #tpu.memory_space<hbm>> -> memref<8x64xf32, #tpu.memory_space<hbm>>
        %dma_start3A_238 = arith.constant 0 : i32
        %dma_start3A_239 = tpu.memref_slice %arg15[%mul3A_233, %dma_start3A_238] : memref<256x64xf32, #tpu.memory_space<vmem>> -> memref<8x64xf32, #tpu.memory_space<vmem>>
        %dma_start3A_240 = arith.constant 0 : i32
        %dma_start3A_241 = tpu.memref_slice %arg3[%multiple_of3A_231, %dma_start3A_240] : memref<1000000x64xf32, #tpu.memory_space<hbm>> -> memref<8x64xf32, #tpu.memory_space<hbm>>
        tpu.enqueue_dma source(%dma_start3A_241 : memref<8x64xf32, #tpu.memory_space<hbm>>) target(%dma_start3A_239 : memref<8x64xf32, #tpu.memory_space<vmem>>) target_semaphore(%arg17 : memref<!tpu.dma_semaphore, #tpu.memory_space<semaphore_mem>>)
        %mul3A_242 = arith.constant 16 : i32
        %mul3A_243 = arith.muli %scan3A_54, %mul3A_242 : i32
        %add3A_244 = arith.constant 6 : i32
        %add3A_245 = arith.addi %mul3A_243, %add3A_244 : i32
        %slice3A_246 = vector.extract_strided_slice %get3A_59 {offsets = [6], sizes = [1], strides = [1]} : vector<16xi32> to vector<1xi32>
        %squeeze3A_247 = vector.extract %slice3A_246[0] : i32 from vector<1xi32>
        %multiple_of3A_248 = tpu.assume_multiple %squeeze3A_247, 8 : i32
        %mul3A_249 = arith.constant 8 : i32
        %mul3A_250 = arith.muli %add3A_245, %mul3A_249 : i32
        %dma_start3A_251 = arith.constant 0 : i32
        %dma_start3A_252 = tpu.memref_slice %arg14[%mul3A_250, %dma_start3A_251] : memref<256x64xf32, #tpu.memory_space<vmem>> -> memref<8x64xf32, #tpu.memory_space<vmem>>
        %dma_start3A_253 = arith.constant 0 : i32
        %dma_start3A_254 = tpu.memref_slice %arg2[%multiple_of3A_248, %dma_start3A_253] : memref<1000000x64xf32, #tpu.memory_space<hbm>> -> memref<8x64xf32, #tpu.memory_space<hbm>>
        %dma_start3A_255 = arith.constant 0 : i32
        %dma_start3A_256 = tpu.memref_slice %arg14[%mul3A_250, %dma_start3A_255] : memref<256x64xf32, #tpu.memory_space<vmem>> -> memref<8x64xf32, #tpu.memory_space<vmem>>
        %dma_start3A_257 = arith.constant 0 : i32
        %dma_start3A_258 = tpu.memref_slice %arg2[%multiple_of3A_248, %dma_start3A_257] : memref<1000000x64xf32, #tpu.memory_space<hbm>> -> memref<8x64xf32, #tpu.memory_space<hbm>>
        tpu.enqueue_dma source(%dma_start3A_258 : memref<8x64xf32, #tpu.memory_space<hbm>>) target(%dma_start3A_256 : memref<8x64xf32, #tpu.memory_space<vmem>>) target_semaphore(%arg17 : memref<!tpu.dma_semaphore, #tpu.memory_space<semaphore_mem>>)
        %slice3A_259 = vector.extract_strided_slice %get3A_64 {offsets = [6], sizes = [1], strides = [1]} : vector<16xi32> to vector<1xi32>
        %squeeze3A_260 = vector.extract %slice3A_259[0] : i32 from vector<1xi32>
        %multiple_of3A_261 = tpu.assume_multiple %squeeze3A_260, 8 : i32
        %mul3A_262 = arith.constant 8 : i32
        %mul3A_263 = arith.muli %add3A_245, %mul3A_262 : i32
        %dma_start3A_264 = arith.constant 0 : i32
        %dma_start3A_265 = tpu.memref_slice %arg15[%mul3A_263, %dma_start3A_264] : memref<256x64xf32, #tpu.memory_space<vmem>> -> memref<8x64xf32, #tpu.memory_space<vmem>>
        %dma_start3A_266 = arith.constant 0 : i32
        %dma_start3A_267 = tpu.memref_slice %arg3[%multiple_of3A_261, %dma_start3A_266] : memref<1000000x64xf32, #tpu.memory_space<hbm>> -> memref<8x64xf32, #tpu.memory_space<hbm>>
        %dma_start3A_268 = arith.constant 0 : i32
        %dma_start3A_269 = tpu.memref_slice %arg15[%mul3A_263, %dma_start3A_268] : memref<256x64xf32, #tpu.memory_space<vmem>> -> memref<8x64xf32, #tpu.memory_space<vmem>>
        %dma_start3A_270 = arith.constant 0 : i32
        %dma_start3A_271 = tpu.memref_slice %arg3[%multiple_of3A_261, %dma_start3A_270] : memref<1000000x64xf32, #tpu.memory_space<hbm>> -> memref<8x64xf32, #tpu.memory_space<hbm>>
        tpu.enqueue_dma source(%dma_start3A_271 : memref<8x64xf32, #tpu.memory_space<hbm>>) target(%dma_start3A_269 : memref<8x64xf32, #tpu.memory_space<vmem>>) target_semaphore(%arg17 : memref<!tpu.dma_semaphore, #tpu.memory_space<semaphore_mem>>)
        %mul3A_272 = arith.constant 16 : i32
        %mul3A_273 = arith.muli %scan3A_54, %mul3A_272 : i32
        %add3A_274 = arith.constant 7 : i32
        %add3A_275 = arith.addi %mul3A_273, %add3A_274 : i32
        %slice3A_276 = vector.extract_strided_slice %get3A_59 {offsets = [7], sizes = [1], strides = [1]} : vector<16xi32> to vector<1xi32>
        %squeeze3A_277 = vector.extract %slice3A_276[0] : i32 from vector<1xi32>
        %multiple_of3A_278 = tpu.assume_multiple %squeeze3A_277, 8 : i32
        %mul3A_279 = arith.constant 8 : i32
        %mul3A_280 = arith.muli %add3A_275, %mul3A_279 : i32
        %dma_start3A_281 = arith.constant 0 : i32
        %dma_start3A_282 = tpu.memref_slice %arg14[%mul3A_280, %dma_start3A_281] : memref<256x64xf32, #tpu.memory_space<vmem>> -> memref<8x64xf32, #tpu.memory_space<vmem>>
        %dma_start3A_283 = arith.constant 0 : i32
        %dma_start3A_284 = tpu.memref_slice %arg2[%multiple_of3A_278, %dma_start3A_283] : memref<1000000x64xf32, #tpu.memory_space<hbm>> -> memref<8x64xf32, #tpu.memory_space<hbm>>
        %dma_start3A_285 = arith.constant 0 : i32
        %dma_start3A_286 = tpu.memref_slice %arg14[%mul3A_280, %dma_start3A_285] : memref<256x64xf32, #tpu.memory_space<vmem>> -> memref<8x64xf32, #tpu.memory_space<vmem>>
        %dma_start3A_287 = arith.constant 0 : i32
        %dma_start3A_288 = tpu.memref_slice %arg2[%multiple_of3A_278, %dma_start3A_287] : memref<1000000x64xf32, #tpu.memory_space<hbm>> -> memref<8x64xf32, #tpu.memory_space<hbm>>
        tpu.enqueue_dma source(%dma_start3A_288 : memref<8x64xf32, #tpu.memory_space<hbm>>) target(%dma_start3A_286 : memref<8x64xf32, #tpu.memory_space<vmem>>) target_semaphore(%arg17 : memref<!tpu.dma_semaphore, #tpu.memory_space<semaphore_mem>>)
        %slice3A_289 = vector.extract_strided_slice %get3A_64 {offsets = [7], sizes = [1], strides = [1]} : vector<16xi32> to vector<1xi32>
        %squeeze3A_290 = vector.extract %slice3A_289[0] : i32 from vector<1xi32>
        %multiple_of3A_291 = tpu.assume_multiple %squeeze3A_290, 8 : i32
        %mul3A_292 = arith.constant 8 : i32
        %mul3A_293 = arith.muli %add3A_275, %mul3A_292 : i32
        %dma_start3A_294 = arith.constant 0 : i32
        %dma_start3A_295 = tpu.memref_slice %arg15[%mul3A_293, %dma_start3A_294] : memref<256x64xf32, #tpu.memory_space<vmem>> -> memref<8x64xf32, #tpu.memory_space<vmem>>
        %dma_start3A_296 = arith.constant 0 : i32
        %dma_start3A_297 = tpu.memref_slice %arg3[%multiple_of3A_291, %dma_start3A_296] : memref<1000000x64xf32, #tpu.memory_space<hbm>> -> memref<8x64xf32, #tpu.memory_space<hbm>>
        %dma_start3A_298 = arith.constant 0 : i32
        %dma_start3A_299 = tpu.memref_slice %arg15[%mul3A_293, %dma_start3A_298] : memref<256x64xf32, #tpu.memory_space<vmem>> -> memref<8x64xf32, #tpu.memory_space<vmem>>
        %dma_start3A_300 = arith.constant 0 : i32
        %dma_start3A_301 = tpu.memref_slice %arg3[%multiple_of3A_291, %dma_start3A_300] : memref<1000000x64xf32, #tpu.memory_space<hbm>> -> memref<8x64xf32, #tpu.memory_space<hbm>>
        tpu.enqueue_dma source(%dma_start3A_301 : memref<8x64xf32, #tpu.memory_space<hbm>>) target(%dma_start3A_299 : memref<8x64xf32, #tpu.memory_space<vmem>>) target_semaphore(%arg17 : memref<!tpu.dma_semaphore, #tpu.memory_space<semaphore_mem>>)
        %mul3A_302 = arith.constant 16 : i32
        %mul3A_303 = arith.muli %scan3A_54, %mul3A_302 : i32
        %add3A_304 = arith.constant 8 : i32
        %add3A_305 = arith.addi %mul3A_303, %add3A_304 : i32
        %slice3A_306 = vector.extract_strided_slice %get3A_59 {offsets = [8], sizes = [1], strides = [1]} : vector<16xi32> to vector<1xi32>
        %squeeze3A_307 = vector.extract %slice3A_306[0] : i32 from vector<1xi32>
        %multiple_of3A_308 = tpu.assume_multiple %squeeze3A_307, 8 : i32
        %mul3A_309 = arith.constant 8 : i32
        %mul3A_310 = arith.muli %add3A_305, %mul3A_309 : i32
        %dma_start3A_311 = arith.constant 0 : i32
        %dma_start3A_312 = tpu.memref_slice %arg14[%mul3A_310, %dma_start3A_311] : memref<256x64xf32, #tpu.memory_space<vmem>> -> memref<8x64xf32, #tpu.memory_space<vmem>>
        %dma_start3A_313 = arith.constant 0 : i32
        %dma_start3A_314 = tpu.memref_slice %arg2[%multiple_of3A_308, %dma_start3A_313] : memref<1000000x64xf32, #tpu.memory_space<hbm>> -> memref<8x64xf32, #tpu.memory_space<hbm>>
        %dma_start3A_315 = arith.constant 0 : i32
        %dma_start3A_316 = tpu.memref_slice %arg14[%mul3A_310, %dma_start3A_315] : memref<256x64xf32, #tpu.memory_space<vmem>> -> memref<8x64xf32, #tpu.memory_space<vmem>>
        %dma_start3A_317 = arith.constant 0 : i32
        %dma_start3A_318 = tpu.memref_slice %arg2[%multiple_of3A_308, %dma_start3A_317] : memref<1000000x64xf32, #tpu.memory_space<hbm>> -> memref<8x64xf32, #tpu.memory_space<hbm>>
        tpu.enqueue_dma source(%dma_start3A_318 : memref<8x64xf32, #tpu.memory_space<hbm>>) target(%dma_start3A_316 : memref<8x64xf32, #tpu.memory_space<vmem>>) target_semaphore(%arg17 : memref<!tpu.dma_semaphore, #tpu.memory_space<semaphore_mem>>)
        %slice3A_319 = vector.extract_strided_slice %get3A_64 {offsets = [8], sizes = [1], strides = [1]} : vector<16xi32> to vector<1xi32>
        %squeeze3A_320 = vector.extract %slice3A_319[0] : i32 from vector<1xi32>
        %multiple_of3A_321 = tpu.assume_multiple %squeeze3A_320, 8 : i32
        %mul3A_322 = arith.constant 8 : i32
        %mul3A_323 = arith.muli %add3A_305, %mul3A_322 : i32
        %dma_start3A_324 = arith.constant 0 : i32
        %dma_start3A_325 = tpu.memref_slice %arg15[%mul3A_323, %dma_start3A_324] : memref<256x64xf32, #tpu.memory_space<vmem>> -> memref<8x64xf32, #tpu.memory_space<vmem>>
        %dma_start3A_326 = arith.constant 0 : i32
        %dma_start3A_327 = tpu.memref_slice %arg3[%multiple_of3A_321, %dma_start3A_326] : memref<1000000x64xf32, #tpu.memory_space<hbm>> -> memref<8x64xf32, #tpu.memory_space<hbm>>
        %dma_start3A_328 = arith.constant 0 : i32
        %dma_start3A_329 = tpu.memref_slice %arg15[%mul3A_323, %dma_start3A_328] : memref<256x64xf32, #tpu.memory_space<vmem>> -> memref<8x64xf32, #tpu.memory_space<vmem>>
        %dma_start3A_330 = arith.constant 0 : i32
        %dma_start3A_331 = tpu.memref_slice %arg3[%multiple_of3A_321, %dma_start3A_330] : memref<1000000x64xf32, #tpu.memory_space<hbm>> -> memref<8x64xf32, #tpu.memory_space<hbm>>
        tpu.enqueue_dma source(%dma_start3A_331 : memref<8x64xf32, #tpu.memory_space<hbm>>) target(%dma_start3A_329 : memref<8x64xf32, #tpu.memory_space<vmem>>) target_semaphore(%arg17 : memref<!tpu.dma_semaphore, #tpu.memory_space<semaphore_mem>>)
        %mul3A_332 = arith.constant 16 : i32
        %mul3A_333 = arith.muli %scan3A_54, %mul3A_332 : i32
        %add3A_334 = arith.constant 9 : i32
        %add3A_335 = arith.addi %mul3A_333, %add3A_334 : i32
        %slice3A_336 = vector.extract_strided_slice %get3A_59 {offsets = [9], sizes = [1], strides = [1]} : vector<16xi32> to vector<1xi32>
        %squeeze3A_337 = vector.extract %slice3A_336[0] : i32 from vector<1xi32>
        %multiple_of3A_338 = tpu.assume_multiple %squeeze3A_337, 8 : i32
        %mul3A_339 = arith.constant 8 : i32
        %mul3A_340 = arith.muli %add3A_335, %mul3A_339 : i32
        %dma_start3A_341 = arith.constant 0 : i32
        %dma_start3A_342 = tpu.memref_slice %arg14[%mul3A_340, %dma_start3A_341] : memref<256x64xf32, #tpu.memory_space<vmem>> -> memref<8x64xf32, #tpu.memory_space<vmem>>
        %dma_start3A_343 = arith.constant 0 : i32
        %dma_start3A_344 = tpu.memref_slice %arg2[%multiple_of3A_338, %dma_start3A_343] : memref<1000000x64xf32, #tpu.memory_space<hbm>> -> memref<8x64xf32, #tpu.memory_space<hbm>>
        %dma_start3A_345 = arith.constant 0 : i32
        %dma_start3A_346 = tpu.memref_slice %arg14[%mul3A_340, %dma_start3A_345] : memref<256x64xf32, #tpu.memory_space<vmem>> -> memref<8x64xf32, #tpu.memory_space<vmem>>
        %dma_start3A_347 = arith.constant 0 : i32
        %dma_start3A_348 = tpu.memref_slice %arg2[%multiple_of3A_338, %dma_start3A_347] : memref<1000000x64xf32, #tpu.memory_space<hbm>> -> memref<8x64xf32, #tpu.memory_space<hbm>>
        tpu.enqueue_dma source(%dma_start3A_348 : memref<8x64xf32, #tpu.memory_space<hbm>>) target(%dma_start3A_346 : memref<8x64xf32, #tpu.memory_space<vmem>>) target_semaphore(%arg17 : memref<!tpu.dma_semaphore, #tpu.memory_space<semaphore_mem>>)
        %slice3A_349 = vector.extract_strided_slice %get3A_64 {offsets = [9], sizes = [1], strides = [1]} : vector<16xi32> to vector<1xi32>
        %squeeze3A_350 = vector.extract %slice3A_349[0] : i32 from vector<1xi32>
        %multiple_of3A_351 = tpu.assume_multiple %squeeze3A_350, 8 : i32
        %mul3A_352 = arith.constant 8 : i32
        %mul3A_353 = arith.muli %add3A_335, %mul3A_352 : i32
        %dma_start3A_354 = arith.constant 0 : i32
        %dma_start3A_355 = tpu.memref_slice %arg15[%mul3A_353, %dma_start3A_354] : memref<256x64xf32, #tpu.memory_space<vmem>> -> memref<8x64xf32, #tpu.memory_space<vmem>>
        %dma_start3A_356 = arith.constant 0 : i32
        %dma_start3A_357 = tpu.memref_slice %arg3[%multiple_of3A_351, %dma_start3A_356] : memref<1000000x64xf32, #tpu.memory_space<hbm>> -> memref<8x64xf32, #tpu.memory_space<hbm>>
        %dma_start3A_358 = arith.constant 0 : i32
        %dma_start3A_359 = tpu.memref_slice %arg15[%mul3A_353, %dma_start3A_358] : memref<256x64xf32, #tpu.memory_space<vmem>> -> memref<8x64xf32, #tpu.memory_space<vmem>>
        %dma_start3A_360 = arith.constant 0 : i32
        %dma_start3A_361 = tpu.memref_slice %arg3[%multiple_of3A_351, %dma_start3A_360] : memref<1000000x64xf32, #tpu.memory_space<hbm>> -> memref<8x64xf32, #tpu.memory_space<hbm>>
        tpu.enqueue_dma source(%dma_start3A_361 : memref<8x64xf32, #tpu.memory_space<hbm>>) target(%dma_start3A_359 : memref<8x64xf32, #tpu.memory_space<vmem>>) target_semaphore(%arg17 : memref<!tpu.dma_semaphore, #tpu.memory_space<semaphore_mem>>)
        %mul3A_362 = arith.constant 16 : i32
        %mul3A_363 = arith.muli %scan3A_54, %mul3A_362 : i32
        %add3A_364 = arith.constant 10 : i32
        %add3A_365 = arith.addi %mul3A_363, %add3A_364 : i32
        %slice3A_366 = vector.extract_strided_slice %get3A_59 {offsets = [10], sizes = [1], strides = [1]} : vector<16xi32> to vector<1xi32>
        %squeeze3A_367 = vector.extract %slice3A_366[0] : i32 from vector<1xi32>
        %multiple_of3A_368 = tpu.assume_multiple %squeeze3A_367, 8 : i32
        %mul3A_369 = arith.constant 8 : i32
        %mul3A_370 = arith.muli %add3A_365, %mul3A_369 : i32
        %dma_start3A_371 = arith.constant 0 : i32
        %dma_start3A_372 = tpu.memref_slice %arg14[%mul3A_370, %dma_start3A_371] : memref<256x64xf32, #tpu.memory_space<vmem>> -> memref<8x64xf32, #tpu.memory_space<vmem>>
        %dma_start3A_373 = arith.constant 0 : i32
        %dma_start3A_374 = tpu.memref_slice %arg2[%multiple_of3A_368, %dma_start3A_373] : memref<1000000x64xf32, #tpu.memory_space<hbm>> -> memref<8x64xf32, #tpu.memory_space<hbm>>
        %dma_start3A_375 = arith.constant 0 : i32
        %dma_start3A_376 = tpu.memref_slice %arg14[%mul3A_370, %dma_start3A_375] : memref<256x64xf32, #tpu.memory_space<vmem>> -> memref<8x64xf32, #tpu.memory_space<vmem>>
        %dma_start3A_377 = arith.constant 0 : i32
        %dma_start3A_378 = tpu.memref_slice %arg2[%multiple_of3A_368, %dma_start3A_377] : memref<1000000x64xf32, #tpu.memory_space<hbm>> -> memref<8x64xf32, #tpu.memory_space<hbm>>
        tpu.enqueue_dma source(%dma_start3A_378 : memref<8x64xf32, #tpu.memory_space<hbm>>) target(%dma_start3A_376 : memref<8x64xf32, #tpu.memory_space<vmem>>) target_semaphore(%arg17 : memref<!tpu.dma_semaphore, #tpu.memory_space<semaphore_mem>>)
        %slice3A_379 = vector.extract_strided_slice %get3A_64 {offsets = [10], sizes = [1], strides = [1]} : vector<16xi32> to vector<1xi32>
        %squeeze3A_380 = vector.extract %slice3A_379[0] : i32 from vector<1xi32>
        %multiple_of3A_381 = tpu.assume_multiple %squeeze3A_380, 8 : i32
        %mul3A_382 = arith.constant 8 : i32
        %mul3A_383 = arith.muli %add3A_365, %mul3A_382 : i32
        %dma_start3A_384 = arith.constant 0 : i32
        %dma_start3A_385 = tpu.memref_slice %arg15[%mul3A_383, %dma_start3A_384] : memref<256x64xf32, #tpu.memory_space<vmem>> -> memref<8x64xf32, #tpu.memory_space<vmem>>
        %dma_start3A_386 = arith.constant 0 : i32
        %dma_start3A_387 = tpu.memref_slice %arg3[%multiple_of3A_381, %dma_start3A_386] : memref<1000000x64xf32, #tpu.memory_space<hbm>> -> memref<8x64xf32, #tpu.memory_space<hbm>>
        %dma_start3A_388 = arith.constant 0 : i32
        %dma_start3A_389 = tpu.memref_slice %arg15[%mul3A_383, %dma_start3A_388] : memref<256x64xf32, #tpu.memory_space<vmem>> -> memref<8x64xf32, #tpu.memory_space<vmem>>
        %dma_start3A_390 = arith.constant 0 : i32
        %dma_start3A_391 = tpu.memref_slice %arg3[%multiple_of3A_381, %dma_start3A_390] : memref<1000000x64xf32, #tpu.memory_space<hbm>> -> memref<8x64xf32, #tpu.memory_space<hbm>>
        tpu.enqueue_dma source(%dma_start3A_391 : memref<8x64xf32, #tpu.memory_space<hbm>>) target(%dma_start3A_389 : memref<8x64xf32, #tpu.memory_space<vmem>>) target_semaphore(%arg17 : memref<!tpu.dma_semaphore, #tpu.memory_space<semaphore_mem>>)
        %mul3A_392 = arith.constant 16 : i32
        %mul3A_393 = arith.muli %scan3A_54, %mul3A_392 : i32
        %add3A_394 = arith.constant 11 : i32
        %add3A_395 = arith.addi %mul3A_393, %add3A_394 : i32
        %slice3A_396 = vector.extract_strided_slice %get3A_59 {offsets = [11], sizes = [1], strides = [1]} : vector<16xi32> to vector<1xi32>
        %squeeze3A_397 = vector.extract %slice3A_396[0] : i32 from vector<1xi32>
        %multiple_of3A_398 = tpu.assume_multiple %squeeze3A_397, 8 : i32
        %mul3A_399 = arith.constant 8 : i32
        %mul3A_400 = arith.muli %add3A_395, %mul3A_399 : i32
        %dma_start3A_401 = arith.constant 0 : i32
        %dma_start3A_402 = tpu.memref_slice %arg14[%mul3A_400, %dma_start3A_401] : memref<256x64xf32, #tpu.memory_space<vmem>> -> memref<8x64xf32, #tpu.memory_space<vmem>>
        %dma_start3A_403 = arith.constant 0 : i32
        %dma_start3A_404 = tpu.memref_slice %arg2[%multiple_of3A_398, %dma_start3A_403] : memref<1000000x64xf32, #tpu.memory_space<hbm>> -> memref<8x64xf32, #tpu.memory_space<hbm>>
        %dma_start3A_405 = arith.constant 0 : i32
        %dma_start3A_406 = tpu.memref_slice %arg14[%mul3A_400, %dma_start3A_405] : memref<256x64xf32, #tpu.memory_space<vmem>> -> memref<8x64xf32, #tpu.memory_space<vmem>>
        %dma_start3A_407 = arith.constant 0 : i32
        %dma_start3A_408 = tpu.memref_slice %arg2[%multiple_of3A_398, %dma_start3A_407] : memref<1000000x64xf32, #tpu.memory_space<hbm>> -> memref<8x64xf32, #tpu.memory_space<hbm>>
        tpu.enqueue_dma source(%dma_start3A_408 : memref<8x64xf32, #tpu.memory_space<hbm>>) target(%dma_start3A_406 : memref<8x64xf32, #tpu.memory_space<vmem>>) target_semaphore(%arg17 : memref<!tpu.dma_semaphore, #tpu.memory_space<semaphore_mem>>)
        %slice3A_409 = vector.extract_strided_slice %get3A_64 {offsets = [11], sizes = [1], strides = [1]} : vector<16xi32> to vector<1xi32>
        %squeeze3A_410 = vector.extract %slice3A_409[0] : i32 from vector<1xi32>
        %multiple_of3A_411 = tpu.assume_multiple %squeeze3A_410, 8 : i32
        %mul3A_412 = arith.constant 8 : i32
        %mul3A_413 = arith.muli %add3A_395, %mul3A_412 : i32
        %dma_start3A_414 = arith.constant 0 : i32
        %dma_start3A_415 = tpu.memref_slice %arg15[%mul3A_413, %dma_start3A_414] : memref<256x64xf32, #tpu.memory_space<vmem>> -> memref<8x64xf32, #tpu.memory_space<vmem>>
        %dma_start3A_416 = arith.constant 0 : i32
        %dma_start3A_417 = tpu.memref_slice %arg3[%multiple_of3A_411, %dma_start3A_416] : memref<1000000x64xf32, #tpu.memory_space<hbm>> -> memref<8x64xf32, #tpu.memory_space<hbm>>
        %dma_start3A_418 = arith.constant 0 : i32
        %dma_start3A_419 = tpu.memref_slice %arg15[%mul3A_413, %dma_start3A_418] : memref<256x64xf32, #tpu.memory_space<vmem>> -> memref<8x64xf32, #tpu.memory_space<vmem>>
        %dma_start3A_420 = arith.constant 0 : i32
        %dma_start3A_421 = tpu.memref_slice %arg3[%multiple_of3A_411, %dma_start3A_420] : memref<1000000x64xf32, #tpu.memory_space<hbm>> -> memref<8x64xf32, #tpu.memory_space<hbm>>
        tpu.enqueue_dma source(%dma_start3A_421 : memref<8x64xf32, #tpu.memory_space<hbm>>) target(%dma_start3A_419 : memref<8x64xf32, #tpu.memory_space<vmem>>) target_semaphore(%arg17 : memref<!tpu.dma_semaphore, #tpu.memory_space<semaphore_mem>>)
        %mul3A_422 = arith.constant 16 : i32
        %mul3A_423 = arith.muli %scan3A_54, %mul3A_422 : i32
        %add3A_424 = arith.constant 12 : i32
        %add3A_425 = arith.addi %mul3A_423, %add3A_424 : i32
        %slice3A_426 = vector.extract_strided_slice %get3A_59 {offsets = [12], sizes = [1], strides = [1]} : vector<16xi32> to vector<1xi32>
        %squeeze3A_427 = vector.extract %slice3A_426[0] : i32 from vector<1xi32>
        %multiple_of3A_428 = tpu.assume_multiple %squeeze3A_427, 8 : i32
        %mul3A_429 = arith.constant 8 : i32
        %mul3A_430 = arith.muli %add3A_425, %mul3A_429 : i32
        %dma_start3A_431 = arith.constant 0 : i32
        %dma_start3A_432 = tpu.memref_slice %arg14[%mul3A_430, %dma_start3A_431] : memref<256x64xf32, #tpu.memory_space<vmem>> -> memref<8x64xf32, #tpu.memory_space<vmem>>
        %dma_start3A_433 = arith.constant 0 : i32
        %dma_start3A_434 = tpu.memref_slice %arg2[%multiple_of3A_428, %dma_start3A_433] : memref<1000000x64xf32, #tpu.memory_space<hbm>> -> memref<8x64xf32, #tpu.memory_space<hbm>>
        %dma_start3A_435 = arith.constant 0 : i32
        %dma_start3A_436 = tpu.memref_slice %arg14[%mul3A_430, %dma_start3A_435] : memref<256x64xf32, #tpu.memory_space<vmem>> -> memref<8x64xf32, #tpu.memory_space<vmem>>
        %dma_start3A_437 = arith.constant 0 : i32
        %dma_start3A_438 = tpu.memref_slice %arg2[%multiple_of3A_428, %dma_start3A_437] : memref<1000000x64xf32, #tpu.memory_space<hbm>> -> memref<8x64xf32, #tpu.memory_space<hbm>>
        tpu.enqueue_dma source(%dma_start3A_438 : memref<8x64xf32, #tpu.memory_space<hbm>>) target(%dma_start3A_436 : memref<8x64xf32, #tpu.memory_space<vmem>>) target_semaphore(%arg17 : memref<!tpu.dma_semaphore, #tpu.memory_space<semaphore_mem>>)
        %slice3A_439 = vector.extract_strided_slice %get3A_64 {offsets = [12], sizes = [1], strides = [1]} : vector<16xi32> to vector<1xi32>
        %squeeze3A_440 = vector.extract %slice3A_439[0] : i32 from vector<1xi32>
        %multiple_of3A_441 = tpu.assume_multiple %squeeze3A_440, 8 : i32
        %mul3A_442 = arith.constant 8 : i32
        %mul3A_443 = arith.muli %add3A_425, %mul3A_442 : i32
        %dma_start3A_444 = arith.constant 0 : i32
        %dma_start3A_445 = tpu.memref_slice %arg15[%mul3A_443, %dma_start3A_444] : memref<256x64xf32, #tpu.memory_space<vmem>> -> memref<8x64xf32, #tpu.memory_space<vmem>>
        %dma_start3A_446 = arith.constant 0 : i32
        %dma_start3A_447 = tpu.memref_slice %arg3[%multiple_of3A_441, %dma_start3A_446] : memref<1000000x64xf32, #tpu.memory_space<hbm>> -> memref<8x64xf32, #tpu.memory_space<hbm>>
        %dma_start3A_448 = arith.constant 0 : i32
        %dma_start3A_449 = tpu.memref_slice %arg15[%mul3A_443, %dma_start3A_448] : memref<256x64xf32, #tpu.memory_space<vmem>> -> memref<8x64xf32, #tpu.memory_space<vmem>>
        %dma_start3A_450 = arith.constant 0 : i32
        %dma_start3A_451 = tpu.memref_slice %arg3[%multiple_of3A_441, %dma_start3A_450] : memref<1000000x64xf32, #tpu.memory_space<hbm>> -> memref<8x64xf32, #tpu.memory_space<hbm>>
        tpu.enqueue_dma source(%dma_start3A_451 : memref<8x64xf32, #tpu.memory_space<hbm>>) target(%dma_start3A_449 : memref<8x64xf32, #tpu.memory_space<vmem>>) target_semaphore(%arg17 : memref<!tpu.dma_semaphore, #tpu.memory_space<semaphore_mem>>)
        %mul3A_452 = arith.constant 16 : i32
        %mul3A_453 = arith.muli %scan3A_54, %mul3A_452 : i32
        %add3A_454 = arith.constant 13 : i32
        %add3A_455 = arith.addi %mul3A_453, %add3A_454 : i32
        %slice3A_456 = vector.extract_strided_slice %get3A_59 {offsets = [13], sizes = [1], strides = [1]} : vector<16xi32> to vector<1xi32>
        %squeeze3A_457 = vector.extract %slice3A_456[0] : i32 from vector<1xi32>
        %multiple_of3A_458 = tpu.assume_multiple %squeeze3A_457, 8 : i32
        %mul3A_459 = arith.constant 8 : i32
        %mul3A_460 = arith.muli %add3A_455, %mul3A_459 : i32
        %dma_start3A_461 = arith.constant 0 : i32
        %dma_start3A_462 = tpu.memref_slice %arg14[%mul3A_460, %dma_start3A_461] : memref<256x64xf32, #tpu.memory_space<vmem>> -> memref<8x64xf32, #tpu.memory_space<vmem>>
        %dma_start3A_463 = arith.constant 0 : i32
        %dma_start3A_464 = tpu.memref_slice %arg2[%multiple_of3A_458, %dma_start3A_463] : memref<1000000x64xf32, #tpu.memory_space<hbm>> -> memref<8x64xf32, #tpu.memory_space<hbm>>
        %dma_start3A_465 = arith.constant 0 : i32
        %dma_start3A_466 = tpu.memref_slice %arg14[%mul3A_460, %dma_start3A_465] : memref<256x64xf32, #tpu.memory_space<vmem>> -> memref<8x64xf32, #tpu.memory_space<vmem>>
        %dma_start3A_467 = arith.constant 0 : i32
        %dma_start3A_468 = tpu.memref_slice %arg2[%multiple_of3A_458, %dma_start3A_467] : memref<1000000x64xf32, #tpu.memory_space<hbm>> -> memref<8x64xf32, #tpu.memory_space<hbm>>
        tpu.enqueue_dma source(%dma_start3A_468 : memref<8x64xf32, #tpu.memory_space<hbm>>) target(%dma_start3A_466 : memref<8x64xf32, #tpu.memory_space<vmem>>) target_semaphore(%arg17 : memref<!tpu.dma_semaphore, #tpu.memory_space<semaphore_mem>>)
        %slice3A_469 = vector.extract_strided_slice %get3A_64 {offsets = [13], sizes = [1], strides = [1]} : vector<16xi32> to vector<1xi32>
        %squeeze3A_470 = vector.extract %slice3A_469[0] : i32 from vector<1xi32>
        %multiple_of3A_471 = tpu.assume_multiple %squeeze3A_470, 8 : i32
        %mul3A_472 = arith.constant 8 : i32
        %mul3A_473 = arith.muli %add3A_455, %mul3A_472 : i32
        %dma_start3A_474 = arith.constant 0 : i32
        %dma_start3A_475 = tpu.memref_slice %arg15[%mul3A_473, %dma_start3A_474] : memref<256x64xf32, #tpu.memory_space<vmem>> -> memref<8x64xf32, #tpu.memory_space<vmem>>
        %dma_start3A_476 = arith.constant 0 : i32
        %dma_start3A_477 = tpu.memref_slice %arg3[%multiple_of3A_471, %dma_start3A_476] : memref<1000000x64xf32, #tpu.memory_space<hbm>> -> memref<8x64xf32, #tpu.memory_space<hbm>>
        %dma_start3A_478 = arith.constant 0 : i32
        %dma_start3A_479 = tpu.memref_slice %arg15[%mul3A_473, %dma_start3A_478] : memref<256x64xf32, #tpu.memory_space<vmem>> -> memref<8x64xf32, #tpu.memory_space<vmem>>
        %dma_start3A_480 = arith.constant 0 : i32
        %dma_start3A_481 = tpu.memref_slice %arg3[%multiple_of3A_471, %dma_start3A_480] : memref<1000000x64xf32, #tpu.memory_space<hbm>> -> memref<8x64xf32, #tpu.memory_space<hbm>>
        tpu.enqueue_dma source(%dma_start3A_481 : memref<8x64xf32, #tpu.memory_space<hbm>>) target(%dma_start3A_479 : memref<8x64xf32, #tpu.memory_space<vmem>>) target_semaphore(%arg17 : memref<!tpu.dma_semaphore, #tpu.memory_space<semaphore_mem>>)
        %mul3A_482 = arith.constant 16 : i32
        %mul3A_483 = arith.muli %scan3A_54, %mul3A_482 : i32
        %add3A_484 = arith.constant 14 : i32
        %add3A_485 = arith.addi %mul3A_483, %add3A_484 : i32
        %slice3A_486 = vector.extract_strided_slice %get3A_59 {offsets = [14], sizes = [1], strides = [1]} : vector<16xi32> to vector<1xi32>
        %squeeze3A_487 = vector.extract %slice3A_486[0] : i32 from vector<1xi32>
        %multiple_of3A_488 = tpu.assume_multiple %squeeze3A_487, 8 : i32
        %mul3A_489 = arith.constant 8 : i32
        %mul3A_490 = arith.muli %add3A_485, %mul3A_489 : i32
        %dma_start3A_491 = arith.constant 0 : i32
        %dma_start3A_492 = tpu.memref_slice %arg14[%mul3A_490, %dma_start3A_491] : memref<256x64xf32, #tpu.memory_space<vmem>> -> memref<8x64xf32, #tpu.memory_space<vmem>>
        %dma_start3A_493 = arith.constant 0 : i32
        %dma_start3A_494 = tpu.memref_slice %arg2[%multiple_of3A_488, %dma_start3A_493] : memref<1000000x64xf32, #tpu.memory_space<hbm>> -> memref<8x64xf32, #tpu.memory_space<hbm>>
        %dma_start3A_495 = arith.constant 0 : i32
        %dma_start3A_496 = tpu.memref_slice %arg14[%mul3A_490, %dma_start3A_495] : memref<256x64xf32, #tpu.memory_space<vmem>> -> memref<8x64xf32, #tpu.memory_space<vmem>>
        %dma_start3A_497 = arith.constant 0 : i32
        %dma_start3A_498 = tpu.memref_slice %arg2[%multiple_of3A_488, %dma_start3A_497] : memref<1000000x64xf32, #tpu.memory_space<hbm>> -> memref<8x64xf32, #tpu.memory_space<hbm>>
        tpu.enqueue_dma source(%dma_start3A_498 : memref<8x64xf32, #tpu.memory_space<hbm>>) target(%dma_start3A_496 : memref<8x64xf32, #tpu.memory_space<vmem>>) target_semaphore(%arg17 : memref<!tpu.dma_semaphore, #tpu.memory_space<semaphore_mem>>)
        %slice3A_499 = vector.extract_strided_slice %get3A_64 {offsets = [14], sizes = [1], strides = [1]} : vector<16xi32> to vector<1xi32>
        %squeeze3A_500 = vector.extract %slice3A_499[0] : i32 from vector<1xi32>
        %multiple_of3A_501 = tpu.assume_multiple %squeeze3A_500, 8 : i32
        %mul3A_502 = arith.constant 8 : i32
        %mul3A_503 = arith.muli %add3A_485, %mul3A_502 : i32
        %dma_start3A_504 = arith.constant 0 : i32
        %dma_start3A_505 = tpu.memref_slice %arg15[%mul3A_503, %dma_start3A_504] : memref<256x64xf32, #tpu.memory_space<vmem>> -> memref<8x64xf32, #tpu.memory_space<vmem>>
        %dma_start3A_506 = arith.constant 0 : i32
        %dma_start3A_507 = tpu.memref_slice %arg3[%multiple_of3A_501, %dma_start3A_506] : memref<1000000x64xf32, #tpu.memory_space<hbm>> -> memref<8x64xf32, #tpu.memory_space<hbm>>
        %dma_start3A_508 = arith.constant 0 : i32
        %dma_start3A_509 = tpu.memref_slice %arg15[%mul3A_503, %dma_start3A_508] : memref<256x64xf32, #tpu.memory_space<vmem>> -> memref<8x64xf32, #tpu.memory_space<vmem>>
        %dma_start3A_510 = arith.constant 0 : i32
        %dma_start3A_511 = tpu.memref_slice %arg3[%multiple_of3A_501, %dma_start3A_510] : memref<1000000x64xf32, #tpu.memory_space<hbm>> -> memref<8x64xf32, #tpu.memory_space<hbm>>
        tpu.enqueue_dma source(%dma_start3A_511 : memref<8x64xf32, #tpu.memory_space<hbm>>) target(%dma_start3A_509 : memref<8x64xf32, #tpu.memory_space<vmem>>) target_semaphore(%arg17 : memref<!tpu.dma_semaphore, #tpu.memory_space<semaphore_mem>>)
        %mul3A_512 = arith.constant 16 : i32
        %mul3A_513 = arith.muli %scan3A_54, %mul3A_512 : i32
        %add3A_514 = arith.constant 15 : i32
        %add3A_515 = arith.addi %mul3A_513, %add3A_514 : i32
        %slice3A_516 = vector.extract_strided_slice %get3A_59 {offsets = [15], sizes = [1], strides = [1]} : vector<16xi32> to vector<1xi32>
        %squeeze3A_517 = vector.extract %slice3A_516[0] : i32 from vector<1xi32>
        %multiple_of3A_518 = tpu.assume_multiple %squeeze3A_517, 8 : i32
        %mul3A_519 = arith.constant 8 : i32
        %mul3A_520 = arith.muli %add3A_515, %mul3A_519 : i32
        %dma_start3A_521 = arith.constant 0 : i32
        %dma_start3A_522 = tpu.memref_slice %arg14[%mul3A_520, %dma_start3A_521] : memref<256x64xf32, #tpu.memory_space<vmem>> -> memref<8x64xf32, #tpu.memory_space<vmem>>
        %dma_start3A_523 = arith.constant 0 : i32
        %dma_start3A_524 = tpu.memref_slice %arg2[%multiple_of3A_518, %dma_start3A_523] : memref<1000000x64xf32, #tpu.memory_space<hbm>> -> memref<8x64xf32, #tpu.memory_space<hbm>>
        %dma_start3A_525 = arith.constant 0 : i32
        %dma_start3A_526 = tpu.memref_slice %arg14[%mul3A_520, %dma_start3A_525] : memref<256x64xf32, #tpu.memory_space<vmem>> -> memref<8x64xf32, #tpu.memory_space<vmem>>
        %dma_start3A_527 = arith.constant 0 : i32
        %dma_start3A_528 = tpu.memref_slice %arg2[%multiple_of3A_518, %dma_start3A_527] : memref<1000000x64xf32, #tpu.memory_space<hbm>> -> memref<8x64xf32, #tpu.memory_space<hbm>>
        tpu.enqueue_dma source(%dma_start3A_528 : memref<8x64xf32, #tpu.memory_space<hbm>>) target(%dma_start3A_526 : memref<8x64xf32, #tpu.memory_space<vmem>>) target_semaphore(%arg17 : memref<!tpu.dma_semaphore, #tpu.memory_space<semaphore_mem>>)
        %slice3A_529 = vector.extract_strided_slice %get3A_64 {offsets = [15], sizes = [1], strides = [1]} : vector<16xi32> to vector<1xi32>
        %squeeze3A_530 = vector.extract %slice3A_529[0] : i32 from vector<1xi32>
        %multiple_of3A_531 = tpu.assume_multiple %squeeze3A_530, 8 : i32
        %mul3A_532 = arith.constant 8 : i32
        %mul3A_533 = arith.muli %add3A_515, %mul3A_532 : i32
        %dma_start3A_534 = arith.constant 0 : i32
        %dma_start3A_535 = tpu.memref_slice %arg15[%mul3A_533, %dma_start3A_534] : memref<256x64xf32, #tpu.memory_space<vmem>> -> memref<8x64xf32, #tpu.memory_space<vmem>>
        %dma_start3A_536 = arith.constant 0 : i32
        %dma_start3A_537 = tpu.memref_slice %arg3[%multiple_of3A_531, %dma_start3A_536] : memref<1000000x64xf32, #tpu.memory_space<hbm>> -> memref<8x64xf32, #tpu.memory_space<hbm>>
        %dma_start3A_538 = arith.constant 0 : i32
        %dma_start3A_539 = tpu.memref_slice %arg15[%mul3A_533, %dma_start3A_538] : memref<256x64xf32, #tpu.memory_space<vmem>> -> memref<8x64xf32, #tpu.memory_space<vmem>>
        %dma_start3A_540 = arith.constant 0 : i32
        %dma_start3A_541 = tpu.memref_slice %arg3[%multiple_of3A_531, %dma_start3A_540] : memref<1000000x64xf32, #tpu.memory_space<hbm>> -> memref<8x64xf32, #tpu.memory_space<hbm>>
        tpu.enqueue_dma source(%dma_start3A_541 : memref<8x64xf32, #tpu.memory_space<hbm>>) target(%dma_start3A_539 : memref<8x64xf32, #tpu.memory_space<vmem>>) target_semaphore(%arg17 : memref<!tpu.dma_semaphore, #tpu.memory_space<semaphore_mem>>)
        %scan3A_542 = arith.constant 0 : i32
        scf.yield %scan3A_542 : i32
      }
      %scan3A_33 = arith.constant 2 : i32
      %dma_wait3A_34 = arith.constant 0 : i32
      %dma_wait3A_35 = arith.constant 0 : i32
      %dma_wait3A_36 = tpu.memref_slice %arg2[%dma_wait3A_34, %dma_wait3A_35] : memref<1000000x64xf32, #tpu.memory_space<hbm>> -> memref<256x64xf32, #tpu.memory_space<hbm>>
      %dma_wait3A_37 = arith.constant 0 : i32
      %dma_wait3A_38 = arith.constant 0 : i32
      %dma_wait3A_39 = tpu.memref_slice %arg2[%dma_wait3A_37, %dma_wait3A_38] : memref<1000000x64xf32, #tpu.memory_space<hbm>> -> memref<256x64xf32, #tpu.memory_space<hbm>>
      tpu.wait_dma2 semaphore(%arg17 : memref<!tpu.dma_semaphore, #tpu.memory_space<semaphore_mem>>) src(%dma_wait3A_39 : memref<256x64xf32, #tpu.memory_space<hbm>>) dst(%arg14 : memref<256x64xf32, #tpu.memory_space<vmem>>)
      %dma_wait3A_40 = arith.constant 0 : i32
      %dma_wait3A_41 = arith.constant 0 : i32
      %dma_wait3A_42 = tpu.memref_slice %arg3[%dma_wait3A_40, %dma_wait3A_41] : memref<1000000x64xf32, #tpu.memory_space<hbm>> -> memref<256x64xf32, #tpu.memory_space<hbm>>
      %dma_wait3A_43 = arith.constant 0 : i32
      %dma_wait3A_44 = arith.constant 0 : i32
      %dma_wait3A_45 = tpu.memref_slice %arg3[%dma_wait3A_43, %dma_wait3A_44] : memref<1000000x64xf32, #tpu.memory_space<hbm>> -> memref<256x64xf32, #tpu.memory_space<hbm>>
      tpu.wait_dma2 semaphore(%arg17 : memref<!tpu.dma_semaphore, #tpu.memory_space<semaphore_mem>>) src(%dma_wait3A_45 : memref<256x64xf32, #tpu.memory_space<hbm>>) dst(%arg15 : memref<256x64xf32, #tpu.memory_space<vmem>>)
      %scan3A_46 = arith.constant 0 : i32
      %scan3A_47 = arith.constant 0 : i32
      %scan3A_48 = arith.constant 2 : i32
      %scan3A_49 = arith.addi %scan3A_47, %scan3A_48 : i32
      %scan3A_50 = arith.constant 1 : i32
      %scan3A_51 = scf.for %scan3A_54 = %scan3A_47 to %scan3A_49 step %scan3A_50 iter_args(%scan3A_55 = %scan3A_46) -> (i32)  : i32 {
        %mul3A_56 = arith.constant 16 : i32
        %mul3A_57 = arith.muli %scan3A_54, %mul3A_56 : i32
        %add3A_58 = arith.addi %mul3A_26, %mul3A_57 : i32
        %mul3A_59 = arith.constant 16 : i32
        %mul3A_60 = arith.muli %scan3A_54, %mul3A_59 : i32
        %add3A_61 = vector.broadcast %mul3A_60 : i32 to vector<16xi32>
        %add3A_62 = arith.addi %add3A_61, %iota3A : vector<16xi32>
        %mul3A_63 = arith.constant 8 : i32
        %mul3A_64 = vector.broadcast %mul3A_63 : i32 to vector<16xi32>
        %mul3A_65 = arith.muli %add3A_62, %mul3A_64 : vector<16xi32>
        %get3A = arith.index_cast %add3A_58 : i32 to index
        %get3A_66 = tpu.vector_load %arg10[%get3A] {strides = array<i32>} : memref<512xi32, #tpu.memory_space<vmem>>, vector<16xi32>,
        %add3A_67 = arith.addi %mul3A_65, %get3A_66 : vector<16xi32>
        %mul3A_68 = arith.constant 16 : i32
        %mul3A_69 = arith.muli %scan3A_54, %mul3A_68 : i32
        %add3A_70 = vector.broadcast %mul3A_69 : i32 to vector<16xi32>
        %add3A_71 = arith.addi %add3A_70, %iota3A : vector<16xi32>
        %mul3A_72 = arith.constant 8 : i32
        %mul3A_73 = vector.broadcast %mul3A_72 : i32 to vector<16xi32>
        %mul3A_74 = arith.muli %add3A_71, %mul3A_73 : vector<16xi32>
        %get3A_75 = arith.index_cast %add3A_58 : i32 to index
        %get3A_76 = tpu.vector_load %arg11[%get3A_75] {strides = array<i32>} : memref<512xi32, #tpu.memory_space<vmem>>, vector<16xi32>,
        %add3A_77 = arith.addi %mul3A_74, %get3A_76 : vector<16xi32>
        %broadcast_in_dim3A = arith.constant 0.000000e+00 : f32
        %broadcast_in_dim3A_78 = vector.broadcast %broadcast_in_dim3A : f32 to vector<16xf32>
        %scan3A_79 = arith.constant 0 : i32
        %scan3A_80 = arith.constant 64 : i32
        %scan3A_81 = arith.addi %scan3A_79, %scan3A_80 : i32
        %scan3A_82 = arith.constant 8 : i32
        %scan3A_83 = scf.for %scan3A_90 = %scan3A_79 to %scan3A_81 step %scan3A_82 iter_args(%scan3A_91 = %broadcast_in_dim3A_78) -> (vector<16xf32>)  : i32 {
          %broadcast_in_dim3A_92 = vector.broadcast %scan3A_90 : i32 to vector<16xi32>
          %gather3A = tpu.vector_load_idx %arg14[%add3A_67, %broadcast_in_dim3A_92] : memref<256x64xf32, #tpu.memory_space<vmem>>[vector<16xi32>, vector<16xi32>], vector<16xf32>,
          %gather3A_93 = tpu.vector_load_idx %arg15[%add3A_77, %broadcast_in_dim3A_92] : memref<256x64xf32, #tpu.memory_space<vmem>>[vector<16xi32>, vector<16xi32>], vector<16xf32>,
          %mul3A_94 = arith.mulf %gather3A, %gather3A_93 : vector<16xf32>
          %add3A_95 = arith.addf %scan3A_91, %mul3A_94 : vector<16xf32>
          %scan3A_96 = arith.constant 1 : i32
          %scan3A_97 = arith.addi %scan3A_90, %scan3A_96 : i32
          %broadcast_in_dim3A_98 = vector.broadcast %scan3A_97 : i32 to vector<16xi32>
          %gather3A_99 = tpu.vector_load_idx %arg14[%add3A_67, %broadcast_in_dim3A_98] : memref<256x64xf32, #tpu.memory_space<vmem>>[vector<16xi32>, vector<16xi32>], vector<16xf32>,
          %gather3A_100 = tpu.vector_load_idx %arg15[%add3A_77, %broadcast_in_dim3A_98] : memref<256x64xf32, #tpu.memory_space<vmem>>[vector<16xi32>, vector<16xi32>], vector<16xf32>,
          %mul3A_101 = arith.mulf %gather3A_99, %gather3A_100 : vector<16xf32>
          %add3A_102 = arith.addf %add3A_95, %mul3A_101 : vector<16xf32>
          %scan3A_103 = arith.constant 2 : i32
          %scan3A_104 = arith.addi %scan3A_90, %scan3A_103 : i32
          %broadcast_in_dim3A_105 = vector.broadcast %scan3A_104 : i32 to vector<16xi32>
          %gather3A_106 = tpu.vector_load_idx %arg14[%add3A_67, %broadcast_in_dim3A_105] : memref<256x64xf32, #tpu.memory_space<vmem>>[vector<16xi32>, vector<16xi32>], vector<16xf32>,
          %gather3A_107 = tpu.vector_load_idx %arg15[%add3A_77, %broadcast_in_dim3A_105] : memref<256x64xf32, #tpu.memory_space<vmem>>[vector<16xi32>, vector<16xi32>], vector<16xf32>,
          %mul3A_108 = arith.mulf %gather3A_106, %gather3A_107 : vector<16xf32>
          %add3A_109 = arith.addf %add3A_102, %mul3A_108 : vector<16xf32>
          %scan3A_110 = arith.constant 3 : i32
          %scan3A_111 = arith.addi %scan3A_90, %scan3A_110 : i32
          %broadcast_in_dim3A_112 = vector.broadcast %scan3A_111 : i32 to vector<16xi32>
          %gather3A_113 = tpu.vector_load_idx %arg14[%add3A_67, %broadcast_in_dim3A_112] : memref<256x64xf32, #tpu.memory_space<vmem>>[vector<16xi32>, vector<16xi32>], vector<16xf32>,
          %gather3A_114 = tpu.vector_load_idx %arg15[%add3A_77, %broadcast_in_dim3A_112] : memref<256x64xf32, #tpu.memory_space<vmem>>[vector<16xi32>, vector<16xi32>], vector<16xf32>,
          %mul3A_115 = arith.mulf %gather3A_113, %gather3A_114 : vector<16xf32>
          %add3A_116 = arith.addf %add3A_109, %mul3A_115 : vector<16xf32>
          %scan3A_117 = arith.constant 4 : i32
          %scan3A_118 = arith.addi %scan3A_90, %scan3A_117 : i32
          %broadcast_in_dim3A_119 = vector.broadcast %scan3A_118 : i32 to vector<16xi32>
          %gather3A_120 = tpu.vector_load_idx %arg14[%add3A_67, %broadcast_in_dim3A_119] : memref<256x64xf32, #tpu.memory_space<vmem>>[vector<16xi32>, vector<16xi32>], vector<16xf32>,
          %gather3A_121 = tpu.vector_load_idx %arg15[%add3A_77, %broadcast_in_dim3A_119] : memref<256x64xf32, #tpu.memory_space<vmem>>[vector<16xi32>, vector<16xi32>], vector<16xf32>,
          %mul3A_122 = arith.mulf %gather3A_120, %gather3A_121 : vector<16xf32>
          %add3A_123 = arith.addf %add3A_116, %mul3A_122 : vector<16xf32>
          %scan3A_124 = arith.constant 5 : i32
          %scan3A_125 = arith.addi %scan3A_90, %scan3A_124 : i32
          %broadcast_in_dim3A_126 = vector.broadcast %scan3A_125 : i32 to vector<16xi32>
          %gather3A_127 = tpu.vector_load_idx %arg14[%add3A_67, %broadcast_in_dim3A_126] : memref<256x64xf32, #tpu.memory_space<vmem>>[vector<16xi32>, vector<16xi32>], vector<16xf32>,
          %gather3A_128 = tpu.vector_load_idx %arg15[%add3A_77, %broadcast_in_dim3A_126] : memref<256x64xf32, #tpu.memory_space<vmem>>[vector<16xi32>, vector<16xi32>], vector<16xf32>,
          %mul3A_129 = arith.mulf %gather3A_127, %gather3A_128 : vector<16xf32>
          %add3A_130 = arith.addf %add3A_123, %mul3A_129 : vector<16xf32>
          %scan3A_131 = arith.constant 6 : i32
          %scan3A_132 = arith.addi %scan3A_90, %scan3A_131 : i32
          %broadcast_in_dim3A_133 = vector.broadcast %scan3A_132 : i32 to vector<16xi32>
          %gather3A_134 = tpu.vector_load_idx %arg14[%add3A_67, %broadcast_in_dim3A_133] : memref<256x64xf32, #tpu.memory_space<vmem>>[vector<16xi32>, vector<16xi32>], vector<16xf32>,
          %gather3A_135 = tpu.vector_load_idx %arg15[%add3A_77, %broadcast_in_dim3A_133] : memref<256x64xf32, #tpu.memory_space<vmem>>[vector<16xi32>, vector<16xi32>], vector<16xf32>,
          %mul3A_136 = arith.mulf %gather3A_134, %gather3A_135 : vector<16xf32>
          %add3A_137 = arith.addf %add3A_130, %mul3A_136 : vector<16xf32>
          %scan3A_138 = arith.constant 7 : i32
          %scan3A_139 = arith.addi %scan3A_90, %scan3A_138 : i32
          %broadcast_in_dim3A_140 = vector.broadcast %scan3A_139 : i32 to vector<16xi32>
          %gather3A_141 = tpu.vector_load_idx %arg14[%add3A_67, %broadcast_in_dim3A_140] : memref<256x64xf32, #tpu.memory_space<vmem>>[vector<16xi32>, vector<16xi32>], vector<16xf32>,
          %gather3A_142 = tpu.vector_load_idx %arg15[%add3A_77, %broadcast_in_dim3A_140] : memref<256x64xf32, #tpu.memory_space<vmem>>[vector<16xi32>, vector<16xi32>], vector<16xf32>,
          %mul3A_143 = arith.mulf %gather3A_141, %gather3A_142 : vector<16xf32>
          %add3A_144 = arith.addf %add3A_137, %mul3A_143 : vector<16xf32>
          scf.yield %add3A_144 : vector<16xf32>
        }
        %scan3A_84 = arith.constant 64 : i32
        %mul3A_85 = arith.constant 16 : i32
        %mul3A_86 = arith.muli %scan3A_54, %mul3A_85 : i32
        %add3A_87 = arith.addi %mul3A_26, %mul3A_86 : i32
        %swap3A = arith.index_cast %add3A_87 : i32 to index
        %swap3A_88 = tpu.vector_load %arg16[%swap3A] {strides = array<i32>} : memref<512xf32, #tpu.memory_space<vmem>>, vector<16xf32>,
        tpu.vector_store %arg16[%swap3A], %scan3A_83 {strides = array<i32>} : memref<512xf32, #tpu.memory_space<vmem>>, vector<16xf32>,
        %scan3A_89 = arith.constant 0 : i32
        scf.yield %scan3A_89 : i32
      }
      %scan3A_52 = arith.constant 2 : i32
      %scan3A_53 = arith.constant 0 : i32
      scf.yield %scan3A_53 : i32
    }
    %scan3A_22 = arith.constant 16 : i32
    "tpu.region"() ({
      %run_scoped3A_23 = tpu.sem_alloc : memref<!tpu.dma_semaphore, #tpu.memory_space<semaphore_mem>>
      %dma_start3A_24 = tpu.memref_slice %arg7[%mul3A_2] : memref<16384xf32, #tpu.memory_space<hbm>> -> memref<512xf32, #tpu.memory_space<hbm>>
      %dma_start3A_25 = tpu.memref_slice %arg7[%mul3A_2] : memref<16384xf32, #tpu.memory_space<hbm>> -> memref<512xf32, #tpu.memory_space<hbm>>
      tpu.enqueue_dma source(%arg16 : memref<512xf32, #tpu.memory_space<vmem>>) target(%dma_start3A_25 : memref<512xf32, #tpu.memory_space<hbm>>) target_semaphore(%run_scoped3A_23 : memref<!tpu.dma_semaphore, #tpu.memory_space<semaphore_mem>>)
      %dma_wait3A_26 = tpu.memref_slice %arg7[%mul3A_2] : memref<16384xf32, #tpu.memory_space<hbm>> -> memref<512xf32, #tpu.memory_space<hbm>>
      %dma_wait3A_27 = tpu.memref_slice %arg7[%mul3A_2] : memref<16384xf32, #tpu.memory_space<hbm>> -> memref<512xf32, #tpu.memory_space<hbm>>
      tpu.wait_dma2 semaphore(%run_scoped3A_23 : memref<!tpu.dma_semaphore, #tpu.memory_space<semaphore_mem>>) src(%arg16 : memref<512xf32, #tpu.memory_space<vmem>>) dst(%dma_wait3A_27 : memref<512xf32, #tpu.memory_space<hbm>>)
      tpu.yield
    }) : () -> ()
    return
  }
}

</mosaic_0001>

<sc_bundles>
// kernel: _mf_sc.3.cloned.1.call-start
scs
__scs_entry_jumppad:
0x0: {  	(pc) =	sbr.rel $0x88, $3  }
0x1: {  	(tag) =	ssettag $0x0;
	lr =	simm.s32 $0x1  }
0x2: {  	[smem:$0x3F9C] =	sst lr;
	_ =	strace $0xD0000000  }
0x3: {  	_ = 	snop  }
0x4: {  	_ = 	snop  }
0x5: {  	_ = 	snop  }
0x6: {  	_ = 	snop  }
0x7: {  	_ = 	snop  }
__scs_overlays_trampoline_lowered:
0x8: {  	[smem:$0x3FAB] =	sst s0  }
0x9: {  	[smem:$0x3FAC] =	sst s1  }
0xa: {  	[smem:$0x3FAD] =	sst s2  }
0xb: {  	[smem:$0x3FAE] =	sst s3  }
0xc: {  	[smem:$0x3FAF] =	sst s4  }
0xd: {  	[smem:$0x3FB0] =	sst s5  }
0xe: {  	[smem:$0x3FB1] =	sst s6  }
0xf: {  	[smem:$0x3FB2] =	sst s7  }
0x10: {  	[smem:$0x3FB3] =	sst s8  }
0x11: {  	[smem:$0x3FB4] =	sst s9;
	s0 =	simm.s32 @!p0 $0x0  }
0x12: {  	s1 =	sld [smem:$0x3F9A];
	s0 =	simm.s32 @p0 $0x1  }
0x13: {  	[smem:$0x3FB5] =	sst s0;
	s0 =	simm.s32 @!p1 $0x0  }
0x14: {  	s2 =	sld [smem:$0x3F99];
	s0 =	simm.s32 @p1 $0x1  }
0x15: {  	[smem:$0x3FB6] =	sst s0;
	s0 =	simm.s32 @!p2 $0x0  }
0x16: {  	s3 =	sld [smem:$0x3FDB];
	s0 =	simm.s32 @p2 $0x1  }
0x17: {  	s4 =	simm.s32 $0x1BF5;
	[smem:$0x3FB8] =	sst s0  }
0x18: {  	s0 =	sld [smem:$0x3F9B];
	_ =	swait.ge [sflag:s4], $0x0  }
0x19: {  	s7 =	sld [smem:$0x3F9C]  }
0x1a: {  	s8 =	sadd.s32 $0xFFFFE003, lr  }
0x1b: {  	s9 =	sadd.s32 $0xFFFFFEF7, lr;
	s5 =	simm.s32 $0xFFFFFFFF;
	p2 =	slt.u32 s8, $0xFFFFF086  }
0x1c: {  	p1 =	slt.u32 s9, $0xF7A;
	s5 =	simm.s32 @!p2 $0x0  }
0x1d: {  	s5 =	simm.s32 @p1 $0x1;
	p0 =	seq.s32 s7, s2  }
0x1e: {  	s7 =	smul.u32 @!p0 $0xF7A, s2;
	p2 =	seq.s32 @!p0 s5, $0x0  }
0x1f: {  	s9 =	smul.u32 $0xF7A, s1;
	s8 =	simm.s32 @!p0 $0x1BF5;
	p2 =	por !p2, p0  }
0x20: {  	[sflag:s8] =	ssyncset.s32 @!p0 $0xFFFFF086;
	s6 =	sadd.s32 @!p0 s3, s7;
	s7 =	simm.s32 @!p0 $0x108  }
0x21: {  	s3 =	sadd.s32 s3, s9;
	s6 =	sadd.s32 @!p0 $0x88, s6;
	s7 =	simm.s32 @p2 $0x1082  }
0x22: {  	[simem:s7], [sflag:s8] =	dma.local @!p0 [hbm:s6], $0xF7A  }
0x23: {  	s9 =	sor.u32 $0xD0000000, s2;
	s6 =	simm.s32 $0x108;
	_ =	swait.ge @!p0 [sflag:s8], $0x0  }
0x24: {  	s3 =	sadd.s32 $0x88, s3;
	s6 =	simm.s32 @!p1 $0x1082;
	[sflag:s4] =	ssyncset.s32 $0xFFFFF086  }
0x25: {  	[simem:s6], [sflag:s4] =	dma.local [hbm:s3], $0xF7A  }
0x26: {  	[smem:$0x3F9C] =	sst s1;
	(tag) =	ssettag s2;
	_ =	strace s9  }
0x27: {  	s1 =	sld [smem:$0x3FAC]  }
0x28: {  	s2 =	sld [smem:$0x3FAD]  }
0x29: {  	s4 =	sld [smem:$0x3FAF]  }
0x2a: {  	p0 =	seq.s32 s5, $0x0;
	s5 =	sld [smem:$0x3FB0]  }
0x2b: {  	s6 =	sld [smem:$0x3FB1]  }
0x2c: {  	s7 =	sld [smem:$0x3FB2]  }
0x2d: {  	s3 =	simm.s32 $0x108;
	s8 =	sld [smem:$0x3FB3]  }
0x2e: {  	s3 =	simm.s32 @!p0 $0x1082;
	s9 =	sld [smem:$0x3FB4]  }
0x2f: {  	lr =	sadd.s32 s0, s3;
	s0 =	sld [smem:$0x3FAB]  }
0x30: {  	s3 =	sld [smem:$0x3FAE]  }
0x31: {  	[smem:$0x3FB7] =	sst s10  }
0x32: {  	s10 =	sld [smem:$0x3FB5];
	_ =	sdelay $0x3  }
0x33: {  	p0 =	seq.s32 s10, $0x1;
	s10 =	sld [smem:$0x3FB7];
	_ =	sdelay $0x3  }
0x34: {  	[smem:$0x3FB7] =	sst s10  }
0x35: {  	s10 =	sld [smem:$0x3FB6];
	_ =	sdelay $0x3  }
0x36: {  	p1 =	seq.s32 s10, $0x1;
	s10 =	sld [smem:$0x3FB7];
	_ =	sdelay $0x3  }
0x37: {  	[smem:$0x3FB7] =	sst s10  }
0x38: {  	s10 =	sld [smem:$0x3FB8]  }
0x39: {  	_ = 	snop;
	(pc) =	sbr.ind lr, $3  }
0x3a: {  	_ = 	snop  }
0x3b: {  	_ = 	snop  }
0x3c: {  	p2 =	seq.s32 s10, $0x1;
	s10 =	sld [smem:$0x3FB7]  }
0x3d: {  	_ =	shalt  }
0x3e: {  	_ =	shalt  }
0x3f: {  	_ =	shalt  }
0x40: {  	_ =	shalt  }
0x41: {  	_ =	shalt  }
0x42: {  	_ =	shalt  }
0x43: {  	_ =	shalt  }
0x44: {  	_ =	shalt  }
0x45: {  	_ =	shalt  }
0x46: {  	_ =	shalt  }
0x47: {  	_ =	shalt  }
0x48: {  	_ =	shalt  }
0x49: {  	_ =	shalt  }
0x4a: {  	_ =	shalt  }
0x4b: {  	_ =	shalt  }
0x4c: {  	_ =	shalt  }
0x4d: {  	_ =	shalt  }
0x4e: {  	_ =	shalt  }
0x4f: {  	_ =	shalt  }
0x50: {  	_ =	shalt  }
0x51: {  	_ =	shalt  }
0x52: {  	_ =	shalt  }
0x53: {  	_ =	shalt  }
0x54: {  	_ =	shalt  }
0x55: {  	_ =	shalt  }
0x56: {  	_ =	shalt  }
0x57: {  	_ =	shalt  }
0x58: {  	_ =	shalt  }
0x59: {  	_ =	shalt  }
0x5a: {  	_ =	shalt  }
0x5b: {  	_ =	shalt  }
0x5c: {  	_ =	shalt  }
0x5d: {  	_ =	shalt  }
0x5e: {  	_ =	shalt  }
0x5f: {  	_ =	shalt  }
0x60: {  	_ =	shalt  }
0x61: {  	_ =	shalt  }
0x62: {  	_ =	shalt  }
0x63: {  	_ =	shalt  }
0x64: {  	_ =	shalt  }
0x65: {  	_ =	shalt  }
0x66: {  	_ =	shalt  }
0x67: {  	_ =	shalt  }
0x68: {  	_ =	shalt  }
0x69: {  	_ =	shalt  }
0x6a: {  	_ =	shalt  }
0x6b: {  	_ =	shalt  }
0x6c: {  	_ =	shalt  }
0x6d: {  	_ =	shalt  }
0x6e: {  	_ =	shalt  }
0x6f: {  	_ =	shalt  }
0x70: {  	_ =	shalt  }
0x71: {  	_ =	shalt  }
0x72: {  	_ =	shalt  }
0x73: {  	_ =	shalt  }
0x74: {  	_ =	shalt  }
0x75: {  	_ =	shalt  }
0x76: {  	_ =	shalt  }
0x77: {  	_ =	shalt  }
0x78: {  	_ =	shalt  }
0x79: {  	_ =	shalt  }
0x7a: {  	_ =	shalt  }
0x7b: {  	_ =	shalt  }
0x7c: {  	_ =	shalt  }
0x7d: {  	_ =	shalt  }
0x7e: {  	_ =	shalt  }
0x7f: {  	_ =	shalt  }
0x80: {  	_ =	shalt  }
0x81: {  	_ =	shalt  }
0x82: {  	_ =	shalt  }
0x83: {  	_ =	shalt  }
0x84: {  	_ =	shalt  }
0x85: {  	_ =	shalt  }
0x86: {  	_ =	shalt  }
0x87: {  	_ =	shalt  }
.Lfunc_end0:
.L_simem_size_0:
called_computation_lowered:
.L_overlay_start_0:
0x88: {  	s2 =	sld [smem:$0x3FD9]  }
0x89: {  	s3 =	sld [smem:$0x3FFE];
	_ =	sdelay $0x1  }
0x8a: {  	s1 =	srdreg.scid  }
0x8b: {  	s0 =	sand.u32 $0x1, s1  }
0x8c: {  	s17 =	sshll.u32 s0, $0xA;
	s2 =	sadd.s32 s3, s2  }
0x8d: {  	s2 =	sadd.s32 s2, s17  }
0x8e: {  	[smem:$0x3FC3] =	sst s2  }
0x8f: {  	_ = 	snop  }
0x90: {  	s2 =	sld [smem:$0x3FC7]  }
0x91: {  	s18 =	sld [smem:$0x3FC6]  }
0x92: {  	s4 =	sld [smem:$0x3FC5]  }
0x93: {  	s5 =	sld [smem:$0x3FD0];
	(tm) =	ssettm $0x1  }
0x94: {  	s6 =	sld [smem:$0x3FFB];
	_ =	sdelay $0x3  }
0x95: {  	_ =	strace s6  }
0x96: {  	s6 =	sld [smem:$0x3FFC];
	_ =	sdelay $0x3  }
0x97: {  	_ =	strace s6  }
0x98: {  	s6 =	sld [smem:$0x3FFD];
	_ =	sdelay $0x3  }
0x99: {  	_ =	strace s6  }
0x9a: {  	_ =	strace $0x8FFFFFFF  }
0x9b: {  	s19 =	sld [smem:$0x3FDB];
	_ =	sdelay $0x1  }
0x9c: {  	s7 =	simm.s32 $_scs_section_size  }
0x9d: {  	s8 =	simm.s32 $_size__tile_overlayer_lowered;
	s9 =	simm.s32 $_tile_overlayer_lowered  }
0x9e: {  	s22 =	simm.s32 $0x1BFF;
	s21 =	sshll.u32 s9, $0x1;
	s6 =	sadd.s32 s7, s19  }
0x9f: {  	s10 =	simm.s32 $0x0;
	s20 =	sshll.u32 s8, $0x1;
	s8 =	sadd.s32 s21, s6  }
0xa0: {  	[timem:s10], [sflag:s22] =	dma.local [hbm:s8], s20  }
0xa1: {  	_ =	swait.ge [sflag:s22], s20  }
0xa2: {  	s7 =	ssub.s32 $0x0, s20;
	[sflag:s22] =	ssyncset.done $0x0  }
0xa3: {  	[sflag:s22] =	ssyncadd.s32 s7;
	_ =	sdelay $0x1  }
0xa4: {  	s23 =	simm.s32 $0x1B8B  }
0xa5: {  	_ =	swait.ge [sflag:s23], $0x1  }
0xa6: {  	[sflag:s23] =	ssyncset.done $0x0  }
0xa7: {  	s25 =	simm.s32 $0x1B8E;
	s24 =	sld [smem:$0x3FFE];
	[sflag:s23] =	ssyncadd.s32 $0xFFFFFFFF  }
0xa8: {  	s26 =	simm.s32 $execute0_lowered;
	[smem:$0x3FD2] =	sst s25  }
0xa9: {  	s8 =	sshll.u32 s26, $0x1;
	_ =	strace $0x80000046;
	[dreg:$0x1] =	wrdreg $0xFFFFFFFF  }
0xaa: {  	s28 =	simm.s32 $_size_execute0_lowered;
	s6 =	sadd.s32 s6, s8;
	[dreg:$0x0] =	wrdreg $0x0  }
0xab: {  	s8 =	sshll.u32 s28, $0x1;
	[dreg:$0x2] =	wrdreg s6  }
0xac: {  	[dreg:$0x3] =	wrdreg s8  }
0xad: {  	[dreg:$0x4] =	wrdreg $0xC0  }
0xae: {  	_ =	task [dreg:s10], $0x5FFFF  }
0xaf: {  	[dreg:$0x1] =	wrdreg $0xFFFFFFFF  }
0xb0: {  	[dreg:$0x0] =	wrdreg $0x60  }
0xb1: {  	[dreg:$0x2] =	wrdreg s24  }
0xb2: {  	[dreg:$0x3] =	wrdreg s2  }
0xb3: {  	[dreg:$0x4] =	wrdreg s18  }
0xb4: {  	[dreg:$0x5] =	wrdreg s4  }
0xb5: {  	[dreg:$0x6] =	wrdreg s5  }
0xb6: {  	[dreg:$0x7] =	wrdreg $0x9  }
0xb7: {  	_ =	task.clear_ibuf [dreg:s10], $0x8FFFF;
	_ =	strace $0x90000046  }
0xb8: {  	s29 =	simm.s32 $0x9;
	_ =	strace $0x80000048  }
0xb9: {  	_ =	swait.ge [sflag:s29], $0x1  }
0xba: {  	[sflag:s29] =	ssyncadd.s32 $0xFFFFFFFF  }
0xbb: {  	_ =	strace $0x90000048  }
0xbc: {  	_ =	sfence  }
0xbd: {  	s30 =	sld [smem:$0x0];
	_ =	sdelay $0x2  }
0xbe: {  	s31 =	sshll.u32 s1, $0xD;
	s1 =	sshrl.u32 s1, $0x2  }
0xbf: {  	s3 =	sand.u32 $0x4000, s31;
	s1 =	sadd.s32 s1, s30  }
0xc0: {  	s0 =	sor.u32 s3, s0;
	s1 =	sshll.u32 s1, $0x11  }
0xc1: {  	s0 =	sor.u32 s1, s0  }
0xc2: {  	s0 =	sadd.s32 $0x8F2B, s0  }
0xc3: {  	[sflag:s0] =	ssyncadd.remote.s32 $0x1  }
0xc4: {  	_ =	sfence.sel $0xFFFF  }
0xc5: {  	[dreg:$0x0] =	wrdreg $0xFFFFFFFF;
	(pc) =	sbr.abs _section_cstart, $3  }
0xc6: {  	[dreg:$0x1] =	wrdreg $0xFFFFFFFF  }
0xc7: {  	_ =	task.clear_ibuf [dreg:s10], $0x2FFFF;
	_ =	strace $0x9FFFFFFF  }
0xc8: {  	(tm) =	ssettm $0x7FFFFFFF  }
0xc9: {  	_ =	shalt  }
tec
execute0_lowered:
.L_overlay_start_1:
0x0: {  	(tag) =	ssettag $0x1  }
0x1: {  	s6 =	rddreg [dreg:$0x0]  }
0x2: {  	s1 =	rddreg [dreg:$0x1]  }
0x3: {  	s2 =	rddreg [dreg:$0x2]  }
0x4: {  	s7 =	rddreg [dreg:$0x3]  }
0x5: {  	s9 =	rddreg [dreg:$0x4]  }
0x6: {  	s0 =	rddreg [dreg:$0x5];
	s5 =	srdreg.scid  }
0x7: {  	s4 =	simm.s32 $0x0;
	s3 =	stileid.u32;
	s13 =	simm.s32 $0x2  }
0x8: {  	s14 =	simm.s32 $0x200;
	s15 =	simm.s32 $0x400;
	s16 =	simm.s32 $0x600  }
0x9: {  	s17 =	simm.s32 $0x1;
	s18 =	simm.s32 $0xC00;
	s19 =	simm.s32 $0x8C00  }
0xa: {  	s20 =	simm.s32 $0x10C00;
	s21 =	simm.s32 $0x0;
	s8 =	sand.u32 $0x1, s5  }
0xb: {  	[smem:$0x7FF] =	sst s4;
	s10 =	sshll.u32 s3, $0xA;
	s5 =	sadd.s32 $0x400, s6  }
0xc: {  	s6 =	sadd.s32 $0xF42800, s6;
	s11 =	sshll.u32 s8, $0x9;
	s8 =	ssub.s32 $0x2, s8  }
0xd: {  	_ =	strace $0x80000047;
	s10 =	sor.u32 s11, s10;
	s12 =	sshrl.u32 s8, $0x1  }
0xe: {  	s11 =	sshrl.u32 s10, $0x2;
	s10 =	sshrl.u32 s10, $0x3;
	s31 =	ssub.s32 s8, s12  }
0xf: {  	v0 =	vlaneseq.u32;
	s12 =	simm.s32 $0x100;
	s7 =	sadd.s32 s7, s11;
	s9 =	sadd.s32 s9, s10  }
0x10: {  	v0 =	vmul.u32 $0x8, v0;
	s10 =	smax.u32 s31, $0x1;
	s11 =	simm.s32 $0x80;
	s8 =	sadd.s32 $0x10, s7  }
.LBB2_1:
0x11: {  	[tilespmem:s4], [sflag:$0x2] =	stream.strided.gather [hbm4b:s7+s11], $0x200, s12, s11, $0x38;
	[tilespmem:$0x10E00] =	vst v63  }
0x12: {  	_ =	swait.ge [sflag:s13], $0x200  }
0x13: {  	[sflag:s13] =	ssyncset.done $0x0  }
0x14: {  	[sflag:s13] =	ssyncadd.s32 $0xFFFFFE00  }
0x15: {  	[tilespmem:s14], [sflag:$0x2] =	stream.strided.gather [hbm4b:s8+s11], $0x200, s12, s11, $0x38;
	[tilespmem:$0x10E00] =	vst v63  }
0x16: {  	_ =	swait.ge [sflag:s13], $0x200  }
0x17: {  	[sflag:s13] =	ssyncset.done $0x0  }
0x18: {  	[sflag:s13] =	ssyncadd.s32 $0xFFFFFE00  }
0x19: {  	[tilespmem:s15], [sflag:$0x1] =	stream.indirect.gather [hbm4b:s1+s14], $0x1, s4, s14, $0xb8;
	[tilespmem:$0x10E00] =	vst v63  }
0x1a: {  	_ = 	snop  }
0x1b: {  	[tilespmem:s16], [sflag:$0x1] =	stream.indirect.gather [hbm4b:s2+s14], $0x1, s14, s14, $0xb8;
	[tilespmem:$0x10E00] =	vst v63  }
0x1c: {  	_ =	swait.ge [sflag:s17], $0x200  }
0x1d: {  	[sflag:s17] =	ssyncset.done $0x0  }
0x1e: {  	[sflag:s17] =	ssyncadd.s32 $0xFFFFFE00  }
0x1f: {  	_ =	swait.ge [sflag:s17], $0x200  }
0x20: {  	[sflag:s17] =	ssyncset.done $0x0  }
0x21: {  	s22 =	simm.s32 $0x420;
	[sflag:s17] =	ssyncadd.s32 $0xFFFFFE00  }
0x22: {  	s24 =	simm.s32 $0x620;
	v1 =	vld [tilespmem:s22+$0xFFFFFFE0]  }
0x23: {  	v2 =	vld [tilespmem:s24+$0xFFFFFFE0];
	_ =	sdelay $0x3  }
0x24: {  	s23 =	simm.s32 $0x820;
	v3 =	vand.u32 $0xFFFFFFF8, v1  }
0x25: {  	s25 =	simm.s32 $0xA20;
	[tilespmem:s23+$0xFFFFFFE0] =	vst v3;
	v3 =	vand.u32 $0xFFFFFFF8, v2  }
0x26: {  	v1 =	vand.u32 $0x7, v1;
	[tilespmem:s25+$0xFFFFFFE0] =	vst v3  }
0x27: {  	[tilespmem:s22+$0xFFFFFFE0] =	vst v1;
	v1 =	vand.u32 $0x7, v2  }
0x28: {  	[tilespmem:s24+$0xFFFFFFE0] =	vst v1  }
0x29: {  	v1 =	vld [tilespmem:s22+$0xFFFFFFF0]  }
0x2a: {  	v2 =	vld [tilespmem:s24+$0xFFFFFFF0];
	_ =	sdelay $0x3  }
0x2b: {  	v3 =	vand.u32 $0xFFFFFFF8, v1  }
0x2c: {  	[tilespmem:s23+$0xFFFFFFF0] =	vst v3;
	v3 =	vand.u32 $0xFFFFFFF8, v2  }
0x2d: {  	v1 =	vand.u32 $0x7, v1;
	[tilespmem:s25+$0xFFFFFFF0] =	vst v3  }
0x2e: {  	[tilespmem:s22+$0xFFFFFFF0] =	vst v1;
	v1 =	vand.u32 $0x7, v2  }
0x2f: {  	[tilespmem:s24+$0xFFFFFFF0] =	vst v1  }
0x30: {  	v1 =	vld [tilespmem:s22+$0x0]  }
0x31: {  	v2 =	vld [tilespmem:s24+$0x0];
	_ =	sdelay $0x3  }
0x32: {  	v3 =	vand.u32 $0xFFFFFFF8, v1  }
0x33: {  	[tilespmem:s23+$0x0] =	vst v3;
	v3 =	vand.u32 $0xFFFFFFF8, v2  }
0x34: {  	v1 =	vand.u32 $0x7, v1;
	[tilespmem:s25+$0x0] =	vst v3  }
0x35: {  	[tilespmem:s22+$0x0] =	vst v1;
	v1 =	vand.u32 $0x7, v2  }
0x36: {  	[tilespmem:s24+$0x0] =	vst v1  }
0x37: {  	v1 =	vld [tilespmem:s22+$0x10]  }
0x38: {  	v2 =	vld [tilespmem:s24+$0x10];
	_ =	sdelay $0x3  }
0x39: {  	v3 =	vand.u32 $0xFFFFFFF8, v1  }
0x3a: {  	[tilespmem:s23+$0x10] =	vst v3;
	v3 =	vand.u32 $0xFFFFFFF8, v2  }
0x3b: {  	v1 =	vand.u32 $0x7, v1;
	[tilespmem:s25+$0x10] =	vst v3  }
0x3c: {  	s26 =	simm.s32 $0x0;
	s28 =	simm.s32 $0x660;
	s29 =	simm.s32 $0x460;
	[tilespmem:s22+$0x10] =	vst v1;
	v1 =	vand.u32 $0x7, v2  }
.LBB2_2:
0x3d: {  	s26 =	sadd.s32 $0x4, s26;
	[tilespmem:s24+$0x10] =	vst v1;
	s25 =	sadd.s32 $0x40, s25;
	s23 =	sadd.s32 $0x40, s23  }
0x3e: {  	s24 =	smov.u32 s28;
	v1 =	vld [tilespmem:s29+$0xFFFFFFE0];
	p0 =	slt.u32 s26, $0x1C  }
0x3f: {  	v2 =	vld [tilespmem:s28+$0xFFFFFFE0];
	_ =	sdelay $0x3  }
0x40: {  	v3 =	vand.u32 $0xFFFFFFF8, v1  }
0x41: {  	[tilespmem:s23+$0xFFFFFFE0] =	vst v3;
	v3 =	vand.u32 $0xFFFFFFF8, v2  }
0x42: {  	v1 =	vand.u32 $0x7, v1;
	[tilespmem:s25+$0xFFFFFFE0] =	vst v3  }
0x43: {  	[tilespmem:s29+$0xFFFFFFE0] =	vst v1;
	v1 =	vand.u32 $0x7, v2  }
0x44: {  	[tilespmem:s28+$0xFFFFFFE0] =	vst v1  }
0x45: {  	v1 =	vld [tilespmem:s29+$0xFFFFFFF0]  }
0x46: {  	v2 =	vld [tilespmem:s28+$0xFFFFFFF0];
	_ =	sdelay $0x3  }
0x47: {  	v3 =	vand.u32 $0xFFFFFFF8, v1  }
0x48: {  	[tilespmem:s23+$0xFFFFFFF0] =	vst v3;
	v3 =	vand.u32 $0xFFFFFFF8, v2  }
0x49: {  	v1 =	vand.u32 $0x7, v1;
	[tilespmem:s25+$0xFFFFFFF0] =	vst v3  }
0x4a: {  	[tilespmem:s29+$0xFFFFFFF0] =	vst v1;
	v1 =	vand.u32 $0x7, v2  }
0x4b: {  	[tilespmem:s28+$0xFFFFFFF0] =	vst v1  }
0x4c: {  	v1 =	vld [tilespmem:s29+$0x0]  }
0x4d: {  	v2 =	vld [tilespmem:s28+$0x0];
	_ =	sdelay $0x3  }
0x4e: {  	v3 =	vand.u32 $0xFFFFFFF8, v1  }
0x4f: {  	[tilespmem:s23+$0x0] =	vst v3;
	v3 =	vand.u32 $0xFFFFFFF8, v2  }
0x50: {  	v1 =	vand.u32 $0x7, v1;
	[tilespmem:s25+$0x0] =	vst v3  }
0x51: {  	[tilespmem:s29+$0x0] =	vst v1;
	v1 =	vand.u32 $0x7, v2  }
0x52: {  	[tilespmem:s28+$0x0] =	vst v1;
	v1 =	vld [tilespmem:s28+$0x10]  }
0x53: {  	v2 =	vld [tilespmem:s29+$0x10];
	_ =	sdelay $0x3  }
.Ltmp0:
0x54: {  	(pc) =	sbr.rel @p0 .LBB2_2-.Ltmp0, $4  }
0x55: {  	v3 =	vand.u32 $0xFFFFFFF8, v2  }
0x56: {  	[tilespmem:s23+$0x10] =	vst v3;
	v3 =	vand.u32 $0xFFFFFFF8, v1  }
0x57: {  	v2 =	vand.u32 $0x7, v2;
	[tilespmem:s25+$0x10] =	vst v3  }
0x58: {  	s22 =	simm.s32 $0x0;
	s28 =	sadd.s32 $0x40, s28;
	v1 =	vand.u32 $0x7, v1;
	[tilespmem:s29+$0x10] =	vst v2;
	s29 =	sadd.s32 $0x40, s29  }
0x59: {  	[tilespmem:s24+$0x10] =	vst v1  }
.LBB2_4:
0x5a: {  	s23 =	sshll.u32 s22, $0x5;
	p0 =	por $0x1, $0x1;
	s24 =	simm.s32 $0x0  }
.LBB2_5:
0x5b: {  	s25 =	sshll.u32 s24, $0x4  }
0x5c: {  	s25 =	sor.u32 s23, s25  }
0x5d: {  	v1 =	vld [tilespmem:s25+$0x800];
	_ =	sdelay $0x1  }
0x5e: {  	v3 =	vld [tilespmem:s25+$0xA00];
	_ =	sdelay $0x2  }
0x5f: {  	v2 =	vshll.u32 v1, $0x4  }
0x60: {  	(v2sf) =	vpush v2, $0x0  }
0x61: {  	v1 =	vshll.u32 v3, $0x4  }
0x62: {  	(v2sf) =	vpush v1, $0x0;
	_ =	sdelay $0x1  }
0x63: {  	(v2sf) =	vpush v2, $0x1;
	_ =	sdelay $0x4  }
0x64: {  	(v2sf) =	vpush v1, $0x1;
	_ =	sdelay $0x5  }
0x65: {  	s26 =	spop (v2sf);
	(v2sf) =	vpush v2, $0x2;
	_ =	sdelay $0x1  }
0x66: {  	s28 =	spop (v2sf);
	(v2sf) =	vpush v1, $0x2;
	_ =	sdelay $0x1  }
0x67: {  	s30 =	spop (v2sf);
	(v2sf) =	vpush v2, $0x3;
	_ =	sdelay $0x1  }
0x68: {  	s24 =	sshll.u32 s24, $0xE;
	s25 =	sand.u32 $0xFFFFF80, s26  }
0x69: {  	s26 =	sor.u32 $0xC00, s24;
	s25 =	sadd.s32 s5, s25  }
0x6a: {  	[tilespmem:s26], [sflag:$0x1] =	stream.linear.gather [hbm4b:s25+s4], $0x400, $0x38;
	[tilespmem:$0x10E00] =	vst v63  }
0x6b: {  	s25 =	sand.u32 $0xFFFFF80, s28;
	s28 =	spop (v2sf);
	(v2sf) =	vpush v1, $0x3  }
0x6c: {  	s29 =	sadd.s32 $0x8C00, s24;
	s25 =	sadd.s32 s6, s25  }
0x6d: {  	[tilespmem:s29], [sflag:$0x1] =	stream.linear.gather [hbm4b:s25+s4], $0x400, $0x38;
	[tilespmem:$0x10E00] =	vst v63  }
0x6e: {  	s25 =	sand.u32 $0xFFFFF80, s30  }
0x6f: {  	s31 =	sor.u32 $0x1000, s24;
	s25 =	sadd.s32 s5, s25  }
0x70: {  	[tilespmem:s31], [sflag:$0x1] =	stream.linear.gather [hbm4b:s25+s4], $0x400, $0x38;
	[tilespmem:$0x10E00] =	vst v63  }
0x71: {  	s30 =	spop (v2sf);
	(v2sf) =	vpush v2, $0x4  }
0x72: {  	s25 =	sand.u32 $0xFFFFF80, s28  }
0x73: {  	s29 =	sadd.s32 $0x9000, s24;
	s25 =	sadd.s32 s6, s25;
	s28 =	spop (v2sf);
	(v2sf) =	vpush v1, $0x4  }
0x74: {  	[tilespmem:s29], [sflag:$0x1] =	stream.linear.gather [hbm4b:s25+s4], $0x400, $0x38;
	[tilespmem:$0x10E00] =	vst v63  }
0x75: {  	s25 =	sand.u32 $0xFFFFF80, s30;
	s30 =	spop (v2sf);
	(v2sf) =	vpush v2, $0x5;
	_ =	sdelay $0x2  }
0x76: {  	s31 =	sor.u32 $0x1400, s24;
	s25 =	sadd.s32 s5, s25  }
0x77: {  	[tilespmem:s31], [sflag:$0x1] =	stream.linear.gather [hbm4b:s25+s4], $0x400, $0x38;
	[tilespmem:$0x10E00] =	vst v63  }
0x78: {  	s25 =	sand.u32 $0xFFFFF80, s28;
	s28 =	spop (v2sf);
	(v2sf) =	vpush v1, $0x5  }
0x79: {  	s29 =	sadd.s32 $0x9400, s24;
	s25 =	sadd.s32 s6, s25  }
0x7a: {  	[tilespmem:s29], [sflag:$0x1] =	stream.linear.gather [hbm4b:s25+s4], $0x400, $0x38;
	[tilespmem:$0x10E00] =	vst v63  }
0x7b: {  	s25 =	sand.u32 $0xFFFFF80, s30  }
0x7c: {  	s31 =	sor.u32 $0x1800, s24;
	s25 =	sadd.s32 s5, s25  }
0x7d: {  	[tilespmem:s31], [sflag:$0x1] =	stream.linear.gather [hbm4b:s25+s4], $0x400, $0x38;
	[tilespmem:$0x10E00] =	vst v63  }
0x7e: {  	s30 =	spop (v2sf);
	(v2sf) =	vpush v2, $0x6  }
0x7f: {  	s25 =	sand.u32 $0xFFFFF80, s28  }
0x80: {  	s29 =	sadd.s32 $0x9800, s24;
	s25 =	sadd.s32 s6, s25;
	s28 =	spop (v2sf);
	(v2sf) =	vpush v1, $0x6  }
0x81: {  	[tilespmem:s29], [sflag:$0x1] =	stream.linear.gather [hbm4b:s25+s4], $0x400, $0x38;
	[tilespmem:$0x10E00] =	vst v63  }
0x82: {  	s25 =	sand.u32 $0xFFFFF80, s30;
	s30 =	spop (v2sf);
	(v2sf) =	vpush v2, $0x7;
	_ =	sdelay $0x2  }
0x83: {  	s31 =	sor.u32 $0x1C00, s24;
	s25 =	sadd.s32 s5, s25  }
0x84: {  	[tilespmem:s31], [sflag:$0x1] =	stream.linear.gather [hbm4b:s25+s4], $0x400, $0x38;
	[tilespmem:$0x10E00] =	vst v63  }
0x85: {  	s25 =	sand.u32 $0xFFFFF80, s28;
	s28 =	spop (v2sf);
	(v2sf) =	vpush v1, $0x7  }
0x86: {  	s29 =	sadd.s32 $0x9C00, s24;
	s25 =	sadd.s32 s6, s25  }
0x87: {  	[tilespmem:s29], [sflag:$0x1] =	stream.linear.gather [hbm4b:s25+s4], $0x400, $0x38;
	[tilespmem:$0x10E00] =	vst v63  }
0x88: {  	s25 =	sand.u32 $0xFFFFF80, s30  }
0x89: {  	s31 =	sor.u32 $0x2000, s24;
	s25 =	sadd.s32 s5, s25  }
0x8a: {  	[tilespmem:s31], [sflag:$0x1] =	stream.linear.gather [hbm4b:s25+s4], $0x400, $0x38;
	[tilespmem:$0x10E00] =	vst v63  }
0x8b: {  	s30 =	spop (v2sf);
	(v2sf) =	vpush v2, $0x8  }
0x8c: {  	s25 =	sand.u32 $0xFFFFF80, s28  }
0x8d: {  	s29 =	sadd.s32 $0xA000, s24;
	s25 =	sadd.s32 s6, s25;
	s28 =	spop (v2sf);
	(v2sf) =	vpush v1, $0x8  }
0x8e: {  	[tilespmem:s29], [sflag:$0x1] =	stream.linear.gather [hbm4b:s25+s4], $0x400, $0x38;
	[tilespmem:$0x10E00] =	vst v63  }
0x8f: {  	s25 =	sand.u32 $0xFFFFF80, s30;
	s30 =	spop (v2sf);
	(v2sf) =	vpush v2, $0x9;
	_ =	sdelay $0x2  }
0x90: {  	s31 =	sor.u32 $0x2400, s24;
	s25 =	sadd.s32 s5, s25  }
0x91: {  	[tilespmem:s31], [sflag:$0x1] =	stream.linear.gather [hbm4b:s25+s4], $0x400, $0x38;
	[tilespmem:$0x10E00] =	vst v63  }
0x92: {  	s25 =	sand.u32 $0xFFFFF80, s28;
	s28 =	spop (v2sf);
	(v2sf) =	vpush v1, $0x9  }
0x93: {  	s29 =	sadd.s32 $0xA400, s24;
	s25 =	sadd.s32 s6, s25  }
0x94: {  	[tilespmem:s29], [sflag:$0x1] =	stream.linear.gather [hbm4b:s25+s4], $0x400, $0x38;
	[tilespmem:$0x10E00] =	vst v63  }
0x95: {  	s25 =	sand.u32 $0xFFFFF80, s30  }
0x96: {  	s31 =	sor.u32 $0x2800, s24;
	s25 =	sadd.s32 s5, s25  }
0x97: {  	[tilespmem:s31], [sflag:$0x1] =	stream.linear.gather [hbm4b:s25+s4], $0x400, $0x38;
	[tilespmem:$0x10E00] =	vst v63  }
0x98: {  	s30 =	spop (v2sf);
	(v2sf) =	vpush v2, $0xA  }
0x99: {  	s25 =	sand.u32 $0xFFFFF80, s28  }
0x9a: {  	s29 =	sadd.s32 $0xA800, s24;
	s25 =	sadd.s32 s6, s25;
	s28 =	spop (v2sf);
	(v2sf) =	vpush v1, $0xA  }
0x9b: {  	[tilespmem:s29], [sflag:$0x1] =	stream.linear.gather [hbm4b:s25+s4], $0x400, $0x38;
	[tilespmem:$0x10E00] =	vst v63  }
0x9c: {  	s25 =	sand.u32 $0xFFFFF80, s30;
	s30 =	spop (v2sf);
	(v2sf) =	vpush v2, $0xB;
	_ =	sdelay $0x2  }
0x9d: {  	s31 =	sor.u32 $0x2C00, s24;
	s25 =	sadd.s32 s5, s25  }
0x9e: {  	[tilespmem:s31], [sflag:$0x1] =	stream.linear.gather [hbm4b:s25+s4], $0x400, $0x38;
	[tilespmem:$0x10E00] =	vst v63  }
0x9f: {  	s25 =	sand.u32 $0xFFFFF80, s28;
	s28 =	spop (v2sf);
	(v2sf) =	vpush v1, $0xB  }
0xa0: {  	s29 =	sadd.s32 $0xAC00, s24;
	s25 =	sadd.s32 s6, s25  }
0xa1: {  	[tilespmem:s29], [sflag:$0x1] =	stream.linear.gather [hbm4b:s25+s4], $0x400, $0x38;
	[tilespmem:$0x10E00] =	vst v63  }
0xa2: {  	s25 =	sand.u32 $0xFFFFF80, s30  }
0xa3: {  	s31 =	sor.u32 $0x3000, s24;
	s25 =	sadd.s32 s5, s25  }
0xa4: {  	[tilespmem:s31], [sflag:$0x1] =	stream.linear.gather [hbm4b:s25+s4], $0x400, $0x38;
	[tilespmem:$0x10E00] =	vst v63  }
0xa5: {  	s30 =	spop (v2sf);
	(v2sf) =	vpush v2, $0xC  }
0xa6: {  	s25 =	sand.u32 $0xFFFFF80, s28  }
0xa7: {  	s29 =	sadd.s32 $0xB000, s24;
	s25 =	sadd.s32 s6, s25;
	s28 =	spop (v2sf);
	(v2sf) =	vpush v1, $0xC  }
0xa8: {  	[tilespmem:s29], [sflag:$0x1] =	stream.linear.gather [hbm4b:s25+s4], $0x400, $0x38;
	[tilespmem:$0x10E00] =	vst v63  }
0xa9: {  	s25 =	sand.u32 $0xFFFFF80, s30;
	s30 =	spop (v2sf);
	(v2sf) =	vpush v2, $0xD;
	_ =	sdelay $0x1  }
0xaa: {  	s31 =	sor.u32 $0x3400, s24;
	s25 =	sadd.s32 s5, s25  }
0xab: {  	[tilespmem:s31], [sflag:$0x1] =	stream.linear.gather [hbm4b:s25+s4], $0x400, $0x38;
	[tilespmem:$0x10E00] =	vst v63  }
0xac: {  	s25 =	sand.u32 $0xFFFFF80, s28  }
0xad: {  	s29 =	sadd.s32 $0xB400, s24;
	s28 =	spop (v2sf);
	s25 =	sadd.s32 s6, s25  }
0xae: {  	(v2sf) =	vpush v1, $0xD;
	[tilespmem:s29], [sflag:$0x1] =	stream.linear.gather [hbm4b:s25+s4], $0x400, $0x38;
	[tilespmem:$0x10E00] =	vst v63  }
0xaf: {  	s25 =	sand.u32 $0xFFFFF80, s30  }
0xb0: {  	s31 =	sor.u32 $0x3800, s24;
	s25 =	sadd.s32 s5, s25  }
0xb1: {  	[tilespmem:s31], [sflag:$0x1] =	stream.linear.gather [hbm4b:s25+s4], $0x400, $0x38;
	[tilespmem:$0x10E00] =	vst v63  }
0xb2: {  	s25 =	sand.u32 $0xFFFFF80, s28  }
0xb3: {  	s29 =	sadd.s32 $0xB800, s24;
	s25 =	sadd.s32 s6, s25;
	s30 =	spop (v2sf);
	(v2sf) =	vpush v2, $0xE  }
0xb4: {  	[tilespmem:s29], [sflag:$0x1] =	stream.linear.gather [hbm4b:s25+s4], $0x400, $0x38;
	[tilespmem:$0x10E00] =	vst v63  }
0xb5: {  	s28 =	spop (v2sf);
	(v2sf) =	vpush v1, $0xE  }
0xb6: {  	s25 =	sand.u32 $0xFFFFF80, s30  }
0xb7: {  	s31 =	sor.u32 $0x3C00, s24;
	s25 =	sadd.s32 s5, s25;
	s30 =	spop (v2sf)  }
0xb8: {  	(v2sf) =	vpush v2, $0xF;
	[tilespmem:s31], [sflag:$0x1] =	stream.linear.gather [hbm4b:s25+s4], $0x400, $0x38;
	[tilespmem:$0x10E00] =	vst v63  }
0xb9: {  	s25 =	sand.u32 $0xFFFFF80, s28  }
0xba: {  	s29 =	sadd.s32 $0xBC00, s24;
	s25 =	sadd.s32 s6, s25  }
0xbb: {  	[tilespmem:s29], [sflag:$0x1] =	stream.linear.gather [hbm4b:s25+s4], $0x400, $0x38;
	[tilespmem:$0x10E00] =	vst v63  }
0xbc: {  	s25 =	sand.u32 $0xFFFFF80, s30  }
0xbd: {  	s31 =	sadd.s32 $0x4000, s24;
	s28 =	spop (v2sf);
	(v2sf) =	vpush v1, $0xF;
	s25 =	sadd.s32 s5, s25  }
0xbe: {  	[tilespmem:s31], [sflag:$0x1] =	stream.linear.gather [hbm4b:s25+s4], $0x400, $0x38;
	[tilespmem:$0x10E00] =	vst v63  }
0xbf: {  	s25 =	sand.u32 $0xFFFFF80, s28  }
0xc0: {  	s29 =	sadd.s32 $0xC000, s24;
	s25 =	sadd.s32 s6, s25  }
0xc1: {  	[tilespmem:s29], [sflag:$0x1] =	stream.linear.gather [hbm4b:s25+s4], $0x400, $0x38;
	[tilespmem:$0x10E00] =	vst v63  }
0xc2: {  	s30 =	spop (v2sf)  }
0xc3: {  	s25 =	sand.u32 $0xFFFFF80, s30  }
0xc4: {  	s31 =	sadd.s32 $0x4400, s24;
	s26 =	spop (v2sf);
	s25 =	sadd.s32 s5, s25  }
0xc5: {  	[tilespmem:s31], [sflag:$0x1] =	stream.linear.gather [hbm4b:s25+s4], $0x400, $0x38;
	[tilespmem:$0x10E00] =	vst v63  }
0xc6: {  	s25 =	sand.u32 $0xFFFFF80, s26  }
0xc7: {  	s28 =	sadd.s32 $0xC400, s24;
	s29 =	spop (v2sf);
	s25 =	sadd.s32 s6, s25  }
0xc8: {  	[tilespmem:s28], [sflag:$0x1] =	stream.linear.gather [hbm4b:s25+s4], $0x400, $0x38;
	[tilespmem:$0x10E00] =	vst v63  }
0xc9: {  	s25 =	sand.u32 $0xFFFFF80, s29  }
0xca: {  	p1 =	por p0, p0;
	s30 =	sadd.s32 $0x4800, s24;
	s25 =	sadd.s32 s5, s25  }
0xcb: {  	[tilespmem:s30], [sflag:$0x1] =	stream.linear.gather [hbm4b:s25+s4], $0x400, $0x38;
	[tilespmem:$0x10E00] =	vst v63  }
.Ltmp1:
0xcc: {  	s31 =	spop (v2sf);
	(pc) =	sbr.rel @p1 .LBB2_5-.Ltmp1, $4  }
0xcd: {  	s25 =	sand.u32 $0xFFFFF80, s31  }
0xce: {  	s24 =	sadd.s32 $0xC800, s24;
	s25 =	sadd.s32 s6, s25  }
0xcf: {  	[tilespmem:s24], [sflag:$0x1] =	stream.linear.gather [hbm4b:s25+s4], $0x400, $0x38;
	[tilespmem:$0x10E00] =	vst v63  }
0xd0: {  	p0 =	por $0x0, $0x0;
	s24 =	simm.s32 $0x1  }
0xd1: {  	_ =	swait.ge [sflag:s17], $0x8000  }
0xd2: {  	[sflag:s17] =	ssyncset.done $0x0  }
0xd3: {  	[sflag:s17] =	ssyncadd.s32 $0xFFFF8000  }
0xd4: {  	_ =	swait.ge [sflag:s17], $0x8000  }
0xd5: {  	s24 =	simm.s32 $0x0;
	[sflag:s17] =	ssyncset.done $0x0  }
0xd6: {  	p1 =	por $0x1, $0x1;
	s26 =	simm.s32 $0x0;
	[sflag:s17] =	ssyncadd.s32 $0xFFFF8000  }
.LBB2_7:
0xd7: {  	s25 =	sor.u32 s23, s26  }
0xd8: {  	v1 =	vld [tilespmem:s25+$0x400]  }
0xd9: {  	v2 =	vld [tilespmem:s25+$0x600];
	_ =	sdelay $0x1  }
0xda: {  	v3 =	vmov s26  }
0xdb: {  	v4 =	vmov s24;
	s31 =	simm.s32 $0x1;
	v3 =	vshll.u32 v3, $0x3  }
0xdc: {  	v4 =	vand.u32 $0x78, v4;
	v5 =	vmov s31;
	v3 =	vor.u32 v0, v3  }
0xdd: {  	v4 =	vbroadcast v4, $0x0;
	v1 =	vadd.s32 v3, v1;
	v3 =	vadd.s32 v3, v2  }
0xde: {  	s31 =	simm.s32 $0x2;
	v2 =	vshll.u32 v1, $0x7;
	v1 =	vshll.u32 v3, $0x7;
	v3 =	vand.u32 $0x79, v5  }
0xdf: {  	v5 =	vmov s31;
	v6 =	vor.u32 v2, v4;
	v3 =	vbroadcast v3, $0x0  }
0xe0: {  	s31 =	simm.s32 $0x3;
	v5 =	vand.u32 $0x7A, v5;
	v4 =	vor.u32 v1, v4  }
0xe1: {  	v7 =	vmov s31;
	v5 =	vbroadcast v5, $0x0;
	v8 =	vor.u32 v2, v3  }
0xe2: {  	s31 =	simm.s32 $0x4;
	v7 =	vand.u32 $0x7B, v7;
	v3 =	vor.u32 v1, v3  }
0xe3: {  	v9 =	vmov s31;
	v7 =	vbroadcast v7, $0x0;
	v10 =	vor.u32 v2, v5  }
0xe4: {  	s31 =	simm.s32 $0x5;
	v9 =	vand.u32 $0x7C, v9;
	v5 =	vor.u32 v1, v5;
	v6 =	vld.idx.msk [tilespmem:v6+s18+$0x0], $0xffff  }
0xe5: {  	v11 =	vmov s31;
	v9 =	vbroadcast v9, $0x0;
	v12 =	vld.idx.msk [tilespmem:v4+s19+$0x0], $0xffff;
	v4 =	vor.u32 v2, v7  }
0xe6: {  	s31 =	simm.s32 $0x6;
	v11 =	vand.u32 $0x7D, v11;
	v7 =	vor.u32 v1, v7;
	v13 =	vld.idx.msk [tilespmem:v8+s18+$0x0], $0xffff  }
0xe7: {  	v15 =	vor.u32 v2, v9;
	v14 =	vld.idx.msk [tilespmem:v3+s19+$0x0], $0xffff;
	v3 =	vbroadcast v11, $0x0;
	v8 =	vmov s31  }
0xe8: {  	v9 =	vor.u32 v1, v9;
	s31 =	simm.s32 $0x7;
	v17 =	vld.idx.msk [tilespmem:v10+s18+$0x0], $0xffff;
	v8 =	vand.u32 $0x7E, v8  }
0xe9: {  	s26 =	simm.s32 $0x8;
	v19 =	vld.idx.msk [tilespmem:v5+s19+$0x0], $0xffff;
	v16 =	vor.u32 v2, v3;
	v5 =	vbroadcast v8, $0x0;
	v8 =	vmov s31  }
0xea: {  	v22 =	vmov s26;
	v20 =	vor.u32 v1, v3;
	v4 =	vld.idx.msk [tilespmem:v4+s18+$0x0], $0xffff;
	v3 =	vand.u32 $0x7F, v8  }
0xeb: {  	s28 =	simm.s32 $0xD;
	v18 =	vmul.f32 v12, v6;
	v8 =	vld.idx.msk [tilespmem:v7+s19+$0x0], $0xffff;
	v11 =	vor.u32 v2, v5;
	v21 =	vbroadcast v3, $0x0  }
0xec: {  	v10 =	vimm.f32 $0.0e+00;
	v6 =	vld.idx.msk [tilespmem:v15+s18+$0x0], $0xffff;
	v3 =	vmov s28;
	v12 =	vor.u32 v1, v5  }
0xed: {  	s29 =	simm.s32 $0xC;
	s28 =	simm.s32 $0xB;
	v15 =	vadd.f32 v18, v10;
	v23 =	vmul.f32 v14, v13;
	v10 =	vld.idx.msk [tilespmem:v9+s19+$0x0], $0xffff;
	v13 =	vor.u32 v2, v21  }
0xee: {  	p0 =	por p1, p1;
	v5 =	vmov s29;
	v9 =	vmov s28;
	v14 =	vor.u32 v1, v21;
	v7 =	vld.idx.msk [tilespmem:v16+s18+$0x0], $0xffff  }
0xef: {  	s30 =	simm.s32 $0xA;
	s29 =	simm.s32 $0x9;
	v18 =	vand.u32 $0x78, v22;
	s28 =	simm.s32 $0x10;
	v17 =	vmul.f32 v19, v17;
	v16 =	vadd.f32 v23, v15;
	v15 =	vld.idx.msk [tilespmem:v20+s19+$0x0], $0xffff  }
.LBB2_8:
0xf0: {  	p1 =	slt.u32 s28, $0x38;
	v18 =	vbroadcast v18, $0x0;
	v19 =	vmov s29;
	v20 =	vmov s30;
	v11 =	vld.idx.msk [tilespmem:v11+s18+$0x0], $0xffff  }
0xf1: {  	v4 =	vmul.f32 v8, v4;
	v19 =	vand.u32 $0x79, v19;
	v16 =	vadd.f32 v17, v16;
	v8 =	vld.idx.msk [tilespmem:v12+s19+$0x0], $0xffff  }
0xf2: {  	v12 =	vor.u32 v2, v18;
	v17 =	vbroadcast v19, $0x0;
	v19 =	vand.u32 $0x7A, v20;
	v13 =	vld.idx.msk [tilespmem:v13+s18+$0x0], $0xffff  }
0xf3: {  	v18 =	vor.u32 v1, v18;
	v6 =	vmul.f32 v10, v6;
	v4 =	vadd.f32 v4, v16;
	v10 =	vld.idx.msk [tilespmem:v14+s19+$0x0], $0xffff  }
0xf4: {  	v9 =	vand.u32 $0x7B, v9;
	v16 =	vbroadcast v19, $0x0;
	v14 =	vor.u32 v2, v17  }
0xf5: {  	v17 =	vor.u32 v1, v17;
	v4 =	vadd.f32 v6, v4;
	v6 =	vmul.f32 v15, v7  }
0xf6: {  	v5 =	vand.u32 $0x7C, v5;
	v9 =	vbroadcast v9, $0x0;
	v7 =	vor.u32 v2, v16  }
0xf7: {  	v15 =	vor.u32 v1, v16;
	v12 =	vld.idx.msk [tilespmem:v12+s18+$0x0], $0xffff;
	v4 =	vadd.f32 v6, v4;
	v6 =	vmul.f32 v8, v11  }
0xf8: {  	v3 =	vand.u32 $0x7D, v3;
	v5 =	vbroadcast v5, $0x0;
	v11 =	vor.u32 v2, v9;
	v8 =	vld.idx.msk [tilespmem:v18+s19+$0x0], $0xffff  }
0xf9: {  	s29 =	sadd.s32 $0x6, s26;
	v9 =	vor.u32 v1, v9;
	v14 =	vld.idx.msk [tilespmem:v14+s18+$0x0], $0xffff;
	v4 =	vadd.f32 v6, v4;
	v6 =	vmul.f32 v10, v13  }
0xfa: {  	v3 =	vbroadcast v3, $0x0;
	v16 =	vmov s29;
	v13 =	vor.u32 v2, v5;
	v10 =	vld.idx.msk [tilespmem:v17+s19+$0x0], $0xffff  }
0xfb: {  	s29 =	sadd.s32 $0x7, s26;
	s26 =	smov.u32 s28;
	v5 =	vor.u32 v1, v5;
	v17 =	vld.idx.msk [tilespmem:v7+s18+$0x0], $0xffff;
	v7 =	vand.u32 $0x7E, v16;
	v16 =	vadd.f32 v6, v4  }
0xfc: {  	v18 =	vor.u32 v2, v3;
	v6 =	vmov s29;
	v15 =	vld.idx.msk [tilespmem:v15+s19+$0x0], $0xffff;
	v7 =	vbroadcast v7, $0x0  }
0xfd: {  	v19 =	vor.u32 v1, v3;
	v3 =	vand.u32 $0x7F, v6;
	v4 =	vld.idx.msk [tilespmem:v11+s18+$0x0], $0xffff  }
.Ltmp2:
0xfe: {  	s29 =	sadd.s32 $0x5, s28;
	v20 =	vmul.f32 v8, v12;
	v21 =	vbroadcast v3, $0x0;
	v8 =	vld.idx.msk [tilespmem:v9+s19+$0x0], $0xffff;
	v11 =	vor.u32 v2, v7;
	(pc) =	sbr.rel @p1 .LBB2_8-.Ltmp2, $4  }
0xff: {  	v22 =	vmov s28;
	v3 =	vmov s29;
	v12 =	vor.u32 v1, v7;
	v6 =	vld.idx.msk [tilespmem:v13+s18+$0x0], $0xffff  }
0x100: {  	s30 =	sadd.s32 $0x4, s28;
	s29 =	sadd.s32 $0x3, s28;
	v16 =	vadd.f32 v20, v16;
	v20 =	vmul.f32 v10, v14;
	v13 =	vor.u32 v2, v21;
	v10 =	vld.idx.msk [tilespmem:v5+s19+$0x0], $0xffff  }
0x101: {  	v9 =	vmov s29;
	v14 =	vor.u32 v1, v21;
	v5 =	vmov s30;
	v7 =	vld.idx.msk [tilespmem:v18+s18+$0x0], $0xffff  }
0x102: {  	s28 =	sadd.s32 $0x8, s28;
	s29 =	sadd.s32 $0x1, s26;
	s30 =	sadd.s32 $0x2, s26;
	v18 =	vand.u32 $0x78, v22;
	v16 =	vadd.f32 v20, v16;
	v17 =	vmul.f32 v15, v17;
	v15 =	vld.idx.msk [tilespmem:v19+s19+$0x0], $0xffff  }
0x103: {  	_ = 	snop  }
0x104: {  	v18 =	vbroadcast v18, $0x0;
	v19 =	vmov s29;
	v20 =	vmov s30  }
0x105: {  	v4 =	vmul.f32 v8, v4;
	v9 =	vand.u32 $0x7B, v9;
	v19 =	vand.u32 $0x79, v19  }
0x106: {  	v5 =	vand.u32 $0x7C, v5;
	v38 =	vor.u32 v2, v18;
	v39 =	vbroadcast v19, $0x0  }
0x107: {  	v11 =	vld.idx.msk [tilespmem:v11+s18+$0x0], $0xffff;
	v16 =	vadd.f32 v17, v16;
	v40 =	vand.u32 $0x7A, v20;
	v18 =	vor.u32 v1, v18  }
0x108: {  	v37 =	vld.idx.msk [tilespmem:v12+s19+$0x0], $0xffff;
	v3 =	vand.u32 $0x7D, v3;
	v43 =	vbroadcast v40, $0x0;
	v42 =	vor.u32 v2, v39  }
0x109: {  	v13 =	vld.idx.msk [tilespmem:v13+s18+$0x0], $0xffff;
	v6 =	vmul.f32 v10, v6;
	v4 =	vadd.f32 v4, v16;
	v17 =	vor.u32 v1, v39  }
0x10a: {  	v41 =	vld.idx.msk [tilespmem:v14+s19+$0x0], $0xffff;
	v9 =	vbroadcast v9, $0x0;
	v5 =	vbroadcast v5, $0x0;
	v45 =	vor.u32 v2, v43  }
0x10b: {  	s28 =	sadd.s32 $0x6, s26;
	v44 =	vmul.f32 v15, v7;
	v46 =	vor.u32 v1, v43;
	v4 =	vadd.f32 v6, v4;
	v12 =	vld.idx.msk [tilespmem:v38+s18+$0x0], $0xffff  }
0x10c: {  	v3 =	vbroadcast v3, $0x0;
	v53 =	vmov s28;
	v49 =	vor.u32 v2, v9;
	v48 =	vld.idx.msk [tilespmem:v18+s19+$0x0], $0xffff  }
0x10d: {  	s31 =	sadd.s32 $0x7, s26;
	v9 =	vor.u32 v1, v9;
	v47 =	vmul.f32 v37, v11;
	v4 =	vadd.f32 v44, v4;
	v14 =	vld.idx.msk [tilespmem:v42+s18+$0x0], $0xffff  }
0x10e: {  	v56 =	vmov s31;
	v52 =	vor.u32 v2, v5;
	v5 =	vor.u32 v1, v5;
	v51 =	vld.idx.msk [tilespmem:v17+s19+$0x0], $0xffff  }
0x10f: {  	v16 =	vand.u32 $0x7E, v53;
	v50 =	vmul.f32 v41, v13;
	v4 =	vadd.f32 v47, v4;
	v7 =	vld.idx.msk [tilespmem:v45+s18+$0x0], $0xffff  }
0x110: {  	v55 =	vor.u32 v2, v3;
	v3 =	vor.u32 v1, v3;
	v16 =	vbroadcast v16, $0x0;
	v54 =	vld.idx.msk [tilespmem:v46+s19+$0x0], $0xffff  }
0x111: {  	v11 =	vld.idx.msk [tilespmem:v49+s18+$0x0], $0xffff;
	v17 =	vand.u32 $0x7F, v56;
	v4 =	vadd.f32 v50, v4;
	v8 =	vmul.f32 v48, v12  }
0x112: {  	v57 =	vor.u32 v2, v16;
	v9 =	vld.idx.msk [tilespmem:v9+s19+$0x0], $0xffff;
	v17 =	vbroadcast v17, $0x0  }
0x113: {  	v16 =	vor.u32 v1, v16;
	v13 =	vld.idx.msk [tilespmem:v52+s18+$0x0], $0xffff;
	v4 =	vadd.f32 v8, v4;
	v58 =	vmul.f32 v51, v14  }
0x114: {  	v5 =	vld.idx.msk [tilespmem:v5+s19+$0x0], $0xffff;
	v2 =	vor.u32 v2, v17  }
0x115: {  	v59 =	vld.idx.msk [tilespmem:v55+s18+$0x0], $0xffff;
	v1 =	vor.u32 v1, v17;
	v6 =	vmul.f32 v54, v7;
	v4 =	vadd.f32 v58, v4  }
0x116: {  	v3 =	vld.idx.msk [tilespmem:v3+s19+$0x0], $0xffff  }
0x117: {  	v60 =	vld.idx.msk [tilespmem:v57+s18+$0x0], $0xffff;
	v61 =	vmul.f32 v9, v11;
	v4 =	vadd.f32 v6, v4  }
0x118: {  	v62 =	vld.idx.msk [tilespmem:v16+s19+$0x0], $0xffff  }
0x119: {  	v5 =	vmul.f32 v5, v13;
	v2 =	vld.idx.msk [tilespmem:v2+s18+$0x0], $0xffff;
	v4 =	vadd.f32 v61, v4  }
0x11a: {  	v1 =	vld.idx.msk [tilespmem:v1+s19+$0x0], $0xffff  }
0x11b: {  	v3 =	vmul.f32 v3, v59;
	v4 =	vadd.f32 v5, v4;
	_ =	sdelay $0x1  }
0x11c: {  	v63 =	vmul.f32 v62, v60;
	v3 =	vadd.f32 v3, v4;
	_ =	sdelay $0x1  }
.Ltmp3:
0x11d: {  	v1 =	vmul.f32 v1, v2;
	v3 =	vadd.f32 v63, v3;
	(pc) =	sbr.rel @p0 .LBB2_7-.Ltmp3, $3  }
0x11e: {  	_ = 	snop  }
0x11f: {  	v1 =	vadd.f32 v1, v3;
	_ =	sdelay $0x1  }
0x120: {  	s26 =	simm.s32 $0x10;
	p1 =	por $0x0, $0x0;
	[tilespmem:s25+$0x10C00] =	vst v1  }
0x121: {  	s22 =	sadd.s32 $0x1, s22  }
0x122: {  	p0 =	sne.s32 s22, $0x10  }
.Ltmp4:
0x123: {  	_ = 	snop;
	(pc) =	sbr.rel @p0 .LBB2_4-.Ltmp4, $1  }
0x124: {  	_ =	sdelay $0x3  }
0x125: {  	s21 =	sadd.s32 $0x1, s21  }
0x126: {  	p0 =	sne.s32 s21, s10  }
.Ltmp5:
0x127: {  	_ = 	snop;
	(pc) =	sbr.rel @p0 .LBB2_1-.Ltmp5, $4  }
0x128: {  	[hbm4b:s9+s4] =	stream.linear.scatter [tilespmem:s20], [sflag:$0x2], $0x200, $0x38;
	[tilespmem:$0x10E00] =	vst v63  }
0x129: {  	_ =	swait.ge [sflag:s13], $0x200  }
0x12a: {  	[sflag:s13] =	ssyncset.done $0x0  }
0x12b: {  	[sflag:s13] =	ssyncadd.s32 $0xFFFFFE00  }
0x12c: {  	_ =	sfence.sel $0x180000  }
0x12d: {  	[bflag:$0x0] =	sbarrier.arrive $0xFFFF  }
0x12e: {  	p0 =	sne.s32 s3, $0x0;
	_ =	strace $0x90000047  }
0x12f: {  	s0 =	sadd.s32 @!p0 $0x100000, s0;
	[bflag:$0x2] =	sbarrier.arrive $0xFFFF  }
0x130: {  	[sflag:s0] =	ssyncadd.tile.s32 @!p0 $0x1;
	_ =	shalt  }
.Lfunc_end2:
_tile_overlayer_lowered:
.L_overlay_start_2:
0x131: {  	(tag) =	ssettag $0x2  }
0x132: {  	s0 =	rddreg [dreg:$0x0];
	s2 =	stileid.u32  }
0x133: {  	s1 =	rddreg [dreg:$0x1];
	p0 =	sne.s32 s2, $0x0  }
0x134: {  	s3 =	rddreg [dreg:$0x2];
	[bflag:$0x3] =	sbarrier.arrive $0xFFFF;
	s2 =	simm.s32 @!p0 $0x1C02  }
0x135: {  	[timem:s3], [sflag:s2] =	dma.local @!p0 [hbm:s0], s1  }
0x136: {  	s0 =	simm.s32 @!p0 $0x2  }
0x137: {  	_ =	swait.ge @!p0 [sflag:s0], s1  }
0x138: {  	s1 =	ssub.s32 @!p0 $0x0, s1;
	[sflag:s0] =	ssyncset.done @!p0 $0x0  }
0x139: {  	[sflag:s0] =	ssyncadd.s32 @!p0 s1  }
0x13a: {  	[bflag:$0x3] =	sbarrier.arrive $0xFFFF  }
0x13b: {  	_ =	shalt  }

</sc_bundles>
